<compile_context>
chip_gen: v7x
topology: tpu7x:2x2x1
jax: 0.10.2.dev20260603
libtpu: 0.0.44.dev20260713+nightly
codegen_flags: <defaults>
</compile_context>

<pallas_src>
import jax
import jax.numpy as jnp
from jax import lax
from jax.experimental import pallas as pl
from jax.experimental.pallas import tpu as pltpu
from jax.experimental.pallas import tpu_sc as plsc

EMBED_DIM = 256
N_EMBED = 8192
DECAY = 0.99
EPS = 1e-05

S = 8 * 576
CODE_BLK = 1024
N_CODE_BLKS = N_EMBED // CODE_BLK

NC, NS = 2, 16
HROWS = S // (NC * NS * 2)


def _tc_body(samples_ref, mean_ref, csize_ref, csum_ref,
             idx_ref, tab_ref,
             best_ref, barg_ref, s2_ref, sneg_ref, sbf_ref, ns_ref):
    j = pl.program_id(0)

    @pl.when(j == 0)
    def _init():
        samples = samples_ref[...]
        sneg_ref[...] = samples * (-2.0)
        sbf_ref[...] = samples.astype(jnp.bfloat16)
        s2_ref[...] = jnp.sum(samples * samples, axis=1, keepdims=True)
        best_ref[...] = jnp.full((S, 1), jnp.inf, jnp.float32)
        barg_ref[...] = jnp.zeros((S, 1), jnp.int32)
        sumcs = jnp.sum(csize_ref[...], keepdims=True).reshape(1, 1)
        ns_ref[...] = sumcs * DECAY + (1.0 - DECAY) * float(S)

    @pl.when(j < N_CODE_BLKS)
    def _argmin_step():
        mean = mean_ref[...]
        mm2 = jnp.dot(sneg_ref[...], mean, preferred_element_type=jnp.float32)
        m2 = jnp.sum(mean * mean, axis=0, keepdims=True)
        dist = (s2_ref[...] + mm2) + m2

        local_min = jnp.min(dist, axis=1, keepdims=True)
        colf = jax.lax.broadcasted_iota(
            jnp.int32, dist.shape, 1).astype(jnp.float32)
        local_argf = jnp.min(
            jnp.where(dist == local_min, colf, jnp.float32(1e9)),
            axis=1, keepdims=True)
        local_arg = local_argf.astype(jnp.int32) + j * CODE_BLK

        better = local_min < best_ref[...]
        best_ref[...] = jnp.where(better, local_min, best_ref[...])
        barg_ref[...] = jnp.where(better, local_arg, barg_ref[...])

        @pl.when(j == N_CODE_BLKS - 1)
        def _done():
            idx_ref[...] = barg_ref[...]

    @pl.when(j >= N_CODE_BLKS)
    def _stats_step():
        jj = j - N_CODE_BLKS
        col = jax.lax.broadcasted_iota(
            jnp.int32, (S, CODE_BLK), 1) + jj * CODE_BLK
        onehot = (barg_ref[...] == col).astype(jnp.bfloat16)

        counts = jnp.sum(onehot, axis=0, keepdims=True,
                         dtype=jnp.float32)
        bsum = jax.lax.dot_general(
            sbf_ref[...], onehot, (((0,), (0,)), ((), ())),
            preferred_element_type=jnp.float32)

        csz = csize_ref[:, pl.ds(jj * CODE_BLK, CODE_BLK)]
        ns = ns_ref[0, 0]
        usize = csz * DECAY + counts * (1.0 - DECAY)
        sm = (usize + EPS) * ns / (ns + N_EMBED * EPS)
        inv = 1.0 / sm

        nm = (csum_ref[...] * DECAY + bsum * (1.0 - DECAY)) * inv
        tab_ref[...] = nm.T


def _sc_body(samples_h, idx_h, tab_h, out_h, loss_h,
             idxg0, idxg1, gbuf0, gbuf1, sbuf0, sbuf1, lossv,
             semg, sems):
    c = lax.axis_index("c")
    s = lax.axis_index("s")
    wid = s * NC + c
    base0 = wid * (2 * HROWS)
    base1 = base0 + HROWS

    pltpu.sync_copy(idx_h.at[pl.ds(base0, HROWS)], idxg0)
    cg0 = pltpu.async_copy(tab_h.at[idxg0], gbuf0, semg)
    cs0 = pltpu.async_copy(samples_h.at[pl.ds(base0, HROWS)], sbuf0, sems)
    pltpu.sync_copy(idx_h.at[pl.ds(base1, HROWS)], idxg1)
    cg1 = pltpu.async_copy(tab_h.at[idxg1], gbuf1, semg)
    cs1 = pltpu.async_copy(samples_h.at[pl.ds(base1, HROWS)], sbuf1, sems)

    lacc0 = jnp.zeros((16,), jnp.float32)
    for h, (gbuf, sbuf, base, cg, cs) in enumerate(
            ((gbuf0, sbuf0, base0, cg0, cs0), (gbuf1, sbuf1, base1, cg1, cs1))):
        cg.wait()
        cs.wait()

        def _row(r, lacc):
            for seg in range(16):
                sl = pl.ds(seg * 16, 16)
                d = sbuf[r, sl] - gbuf[r, sl]
                lacc = lacc + d * d
            return lacc

        lacc0 = lax.fori_loop(0, HROWS, _row, lacc0)
        pltpu.sync_copy(gbuf, out_h.at[pl.ds(base, HROWS)])

    lossv[...] = lacc0
    pltpu.sync_copy(lossv, loss_h.at[pl.ds(wid * 16, 16)])


@jax.jit
def kernel(inputs, cluster_mean, cluster_size, cluster_sum):
    samples = jnp.reshape(inputs, (S, EMBED_DIM))
    csize_2d = jnp.reshape(cluster_size, (1, N_EMBED))

    idx2d, tab = pl.pallas_call(
        _tc_body,
        grid=(2 * N_CODE_BLKS,),
        in_specs=[
            pl.BlockSpec((S, EMBED_DIM), lambda j: (0, 0)),
            pl.BlockSpec((EMBED_DIM, CODE_BLK),
                         lambda j: (0, jnp.minimum(j, N_CODE_BLKS - 1))),
            pl.BlockSpec((1, N_EMBED), lambda j: (0, 0)),
            pl.BlockSpec((EMBED_DIM, CODE_BLK),
                         lambda j: (0, jnp.maximum(j - N_CODE_BLKS, 0))),
        ],
        out_specs=[
            pl.BlockSpec((S, 1), lambda j: (0, 0)),
            pl.BlockSpec((CODE_BLK, EMBED_DIM),
                         lambda j: (jnp.maximum(j - N_CODE_BLKS, 0), 0)),
        ],
        out_shape=[
            jax.ShapeDtypeStruct((S, 1), jnp.int32),
            jax.ShapeDtypeStruct((N_EMBED, EMBED_DIM), jnp.float32),
        ],
        scratch_shapes=[
            pltpu.VMEM((S, 1), jnp.float32),
            pltpu.VMEM((S, 1), jnp.int32),
            pltpu.VMEM((S, 1), jnp.float32),
            pltpu.VMEM((S, EMBED_DIM), jnp.float32),
            pltpu.VMEM((S, EMBED_DIM), jnp.bfloat16),
            pltpu.VMEM((1, 1), jnp.float32),
        ],
    )(samples, cluster_mean, csize_2d, cluster_sum)

    idx = jnp.reshape(idx2d, (S,))

    sc = pl.kernel(
        _sc_body,
        out_type=[
            jax.ShapeDtypeStruct((S, EMBED_DIM), jnp.float32),
            jax.ShapeDtypeStruct((NC * NS * 16,), jnp.float32),
        ],
        mesh=plsc.VectorSubcoreMesh(core_axis_name="c", subcore_axis_name="s",
                                    num_cores=NC, num_subcores=NS),
        scratch_types=[
            pltpu.VMEM((HROWS,), jnp.int32),
            pltpu.VMEM((HROWS,), jnp.int32),
            pltpu.VMEM((HROWS, EMBED_DIM), jnp.float32),
            pltpu.VMEM((HROWS, EMBED_DIM), jnp.float32),
            pltpu.VMEM((HROWS, EMBED_DIM), jnp.float32),
            pltpu.VMEM((HROWS, EMBED_DIM), jnp.float32),
            pltpu.VMEM((16,), jnp.float32),
            pltpu.SemaphoreType.DMA,
            pltpu.SemaphoreType.DMA,
        ],
    )
    out, loss_parts = sc(samples, idx, tab)

    outputs = jnp.reshape(out, inputs.shape)
    e_loss = jnp.sum(loss_parts) / float(S * EMBED_DIM)
    return (outputs, 0.25 * e_loss)

# --- scband reference (transcript-rebuilt; emitter-appended) ---
"""Pipeline reference for scband-quantize-ema-27161373180474 (READ-ONLY COPY).

The authoritative reference and input builder live on the scoring server;
editing this copy changes nothing except your own understanding.
"""

import jax, jax.numpy as jnp
import numpy as np

EMBED_DIM = 256
N_EMBED = 8192
DECAY = 0.99
EPS = 1e-05


def setup_inputs(seed: int = 0) -> dict:
    key = jax.random.key(seed)
    k1, k2 = jax.random.split(key)
    inputs = jax.random.normal(k1, (8, 576, EMBED_DIM), dtype=jnp.float32)
    # cluster_sum initialized RandomNormal(stddev=1.0); cluster_mean.assign(cluster_sum) in build()
    cluster_sum = jax.random.normal(k2, (EMBED_DIM, N_EMBED), dtype=jnp.float32)
    cluster_mean = cluster_sum
    cluster_size = jnp.zeros((N_EMBED,), dtype=jnp.float32)
    return {
        "inputs": inputs,
        "cluster_mean": cluster_mean,
        "cluster_size": cluster_size,
        "cluster_sum": cluster_sum,
    }


def reference(inputs, cluster_mean, cluster_size, cluster_sum):
    samples = jnp.reshape(inputs, (-1, EMBED_DIM))
    dist = (
        jnp.sum(samples ** 2, axis=1, keepdims=True)
        - 2.0 * jnp.matmul(samples, cluster_mean)
        + jnp.sum(cluster_mean ** 2, axis=0, keepdims=True)
    )
    cluster_index = jnp.argmin(dist, axis=1)

    # enable_train=True: EMA update path
    cluster_index_onehot = jax.nn.one_hot(cluster_index, N_EMBED, dtype=jnp.float32)
    batch_cluster_size = jnp.sum(cluster_index_onehot, axis=0)
    batch_cluster_sum = jnp.matmul(samples.T, cluster_index_onehot)
    updated_cluster_size = cluster_size * DECAY + batch_cluster_size * (1.0 - DECAY)
    updated_cluster_sum = cluster_sum * DECAY + batch_cluster_sum * (1.0 - DECAY)
    n_sample = jnp.sum(updated_cluster_size)
    smoothed_cluster_size = (updated_cluster_size + EPS) * n_sample / (n_sample + N_EMBED * EPS)
    new_cluster_mean = updated_cluster_sum / smoothed_cluster_size

    # quantize uses the updated cluster_mean (assigned before lookup in TF code)
    idx = jnp.reshape(cluster_index, inputs.shape[:-1])
    quantize = jnp.take(new_cluster_mean.T, idx, axis=0)

    e_loss = jnp.mean((inputs - jax.lax.stop_gradient(quantize)) ** 2)
    outputs = inputs + jax.lax.stop_gradient(quantize - inputs)
    return (outputs, 0.25 * e_loss)

if __name__ == "__main__":
    import jax
    _d = setup_inputs()
    print(jax.jit(kernel)(*tuple(_d.values())))

</pallas_src>

<mosaic_0001>
#map = affine_map<(d0, d1) -> (0, 0)>
#map1 = affine_map<(d0, d1) -> (0)>
module attributes {stable_mosaic.version = 14 : i64} {
  func.func @_sc_body(%arg0: i32, %arg1: i32, %arg2: memref<4608x256xf32, #tpu.memory_space<hbm>>, %arg3: memref<4608xi32, #tpu.memory_space<hbm>>, %arg4: memref<8192x256xf32, #tpu.memory_space<hbm>>, %arg5: memref<4608x256xf32, #tpu.memory_space<hbm>>, %arg6: memref<512xf32, #tpu.memory_space<hbm>>, %arg7: memref<72xi32, #tpu.memory_space<vmem>>, %arg8: memref<72xi32, #tpu.memory_space<vmem>>, %arg9: memref<72x256xf32, #tpu.memory_space<vmem>>, %arg10: memref<72x256xf32, #tpu.memory_space<vmem>>, %arg11: memref<72x256xf32, #tpu.memory_space<vmem>>, %arg12: memref<72x256xf32, #tpu.memory_space<vmem>>, %arg13: memref<16xf32, #tpu.memory_space<vmem>>, %arg14: memref<!tpu.dma_semaphore, #tpu.memory_space<semaphore_mem>>, %arg15: memref<!tpu.dma_semaphore, #tpu.memory_space<semaphore_mem>>) attributes {dimension_semantics = [#tpu.dimension_semantics<core_parallel>, #tpu.dimension_semantics<subcore_parallel>], iteration_bounds = array<i64: 2, 16>, scalar_prefetch = 0 : i64, scratch_operands = 9 : i64, tpu.core_type = #tpu.core_type<sc_vector_subcore>, window_params = [{transform_indices = #map}, {transform_indices = #map1}, {transform_indices = #map}, {transform_indices = #map}, {transform_indices = #map1}]} {
    %mul3A = arith.constant 2 : i32
    %mul3A_0 = arith.muli %arg1, %mul3A : i32
    %add3A = arith.addi %mul3A_0, %arg0 : i32
    %mul3A_1 = arith.constant 144 : i32
    %mul3A_2 = arith.muli %add3A, %mul3A_1 : i32
    %add3A_3 = arith.constant 72 : i32
    %add3A_4 = arith.addi %mul3A_2, %add3A_3 : i32
    "tpu.region"() ({
      %run_scoped3A = tpu.sem_alloc : memref<!tpu.dma_semaphore, #tpu.memory_space<semaphore_mem>>
      %dma_start3A_48 = tpu.memref_slice %arg3[%mul3A_2] : memref<4608xi32, #tpu.memory_space<hbm>> -> memref<72xi32, #tpu.memory_space<hbm>>
      %dma_start3A_49 = tpu.memref_slice %arg3[%mul3A_2] : memref<4608xi32, #tpu.memory_space<hbm>> -> memref<72xi32, #tpu.memory_space<hbm>>
      tpu.enqueue_dma source(%dma_start3A_49 : memref<72xi32, #tpu.memory_space<hbm>>) target(%arg7 : memref<72xi32, #tpu.memory_space<vmem>>) target_semaphore(%run_scoped3A : memref<!tpu.dma_semaphore, #tpu.memory_space<semaphore_mem>>)
      %dma_wait3A_50 = tpu.memref_slice %arg3[%mul3A_2] : memref<4608xi32, #tpu.memory_space<hbm>> -> memref<72xi32, #tpu.memory_space<hbm>>
      %dma_wait3A_51 = tpu.memref_slice %arg3[%mul3A_2] : memref<4608xi32, #tpu.memory_space<hbm>> -> memref<72xi32, #tpu.memory_space<hbm>>
      tpu.wait_dma2 semaphore(%run_scoped3A : memref<!tpu.dma_semaphore, #tpu.memory_space<semaphore_mem>>) src(%dma_wait3A_51 : memref<72xi32, #tpu.memory_space<hbm>>) dst(%arg7 : memref<72xi32, #tpu.memory_space<vmem>>)
      tpu.yield
    }) : () -> ()
    %dma_start3A = arith.constant 0 : i32
    %dma_start3A_5 = arith.constant 0 : i32
    %dma_start3A_6 = tpu.memref_slice %arg4[%dma_start3A, %dma_start3A_5] : memref<8192x256xf32, #tpu.memory_space<hbm>> -> memref<8192x256xf32, #tpu.memory_space<hbm>>
    tpu.enqueue_indirect_dma source(%dma_start3A_6 : memref<8192x256xf32, #tpu.memory_space<hbm>>) target(%arg9 : memref<72x256xf32, #tpu.memory_space<vmem>>) offsets(%arg7 : memref<72xi32, #tpu.memory_space<vmem>>) semaphore(%arg14 : memref<!tpu.dma_semaphore, #tpu.memory_space<semaphore_mem>>)
    %dma_start3A_7 = arith.constant 0 : i32
    %dma_start3A_8 = tpu.memref_slice %arg2[%mul3A_2, %dma_start3A_7] : memref<4608x256xf32, #tpu.memory_space<hbm>> -> memref<72x256xf32, #tpu.memory_space<hbm>>
    %dma_start3A_9 = arith.constant 0 : i32
    %dma_start3A_10 = tpu.memref_slice %arg2[%mul3A_2, %dma_start3A_9] : memref<4608x256xf32, #tpu.memory_space<hbm>> -> memref<72x256xf32, #tpu.memory_space<hbm>>
    tpu.enqueue_dma source(%dma_start3A_10 : memref<72x256xf32, #tpu.memory_space<hbm>>) target(%arg11 : memref<72x256xf32, #tpu.memory_space<vmem>>) target_semaphore(%arg15 : memref<!tpu.dma_semaphore, #tpu.memory_space<semaphore_mem>>)
    "tpu.region"() ({
      %run_scoped3A = tpu.sem_alloc : memref<!tpu.dma_semaphore, #tpu.memory_space<semaphore_mem>>
      %dma_start3A_48 = tpu.memref_slice %arg3[%add3A_4] : memref<4608xi32, #tpu.memory_space<hbm>> -> memref<72xi32, #tpu.memory_space<hbm>>
      %dma_start3A_49 = tpu.memref_slice %arg3[%add3A_4] : memref<4608xi32, #tpu.memory_space<hbm>> -> memref<72xi32, #tpu.memory_space<hbm>>
      tpu.enqueue_dma source(%dma_start3A_49 : memref<72xi32, #tpu.memory_space<hbm>>) target(%arg8 : memref<72xi32, #tpu.memory_space<vmem>>) target_semaphore(%run_scoped3A : memref<!tpu.dma_semaphore, #tpu.memory_space<semaphore_mem>>)
      %dma_wait3A_50 = tpu.memref_slice %arg3[%add3A_4] : memref<4608xi32, #tpu.memory_space<hbm>> -> memref<72xi32, #tpu.memory_space<hbm>>
      %dma_wait3A_51 = tpu.memref_slice %arg3[%add3A_4] : memref<4608xi32, #tpu.memory_space<hbm>> -> memref<72xi32, #tpu.memory_space<hbm>>
      tpu.wait_dma2 semaphore(%run_scoped3A : memref<!tpu.dma_semaphore, #tpu.memory_space<semaphore_mem>>) src(%dma_wait3A_51 : memref<72xi32, #tpu.memory_space<hbm>>) dst(%arg8 : memref<72xi32, #tpu.memory_space<vmem>>)
      tpu.yield
    }) : () -> ()
    %dma_start3A_11 = arith.constant 0 : i32
    %dma_start3A_12 = arith.constant 0 : i32
    %dma_start3A_13 = tpu.memref_slice %arg4[%dma_start3A_11, %dma_start3A_12] : memref<8192x256xf32, #tpu.memory_space<hbm>> -> memref<8192x256xf32, #tpu.memory_space<hbm>>
    tpu.enqueue_indirect_dma source(%dma_start3A_13 : memref<8192x256xf32, #tpu.memory_space<hbm>>) target(%arg10 : memref<72x256xf32, #tpu.memory_space<vmem>>) offsets(%arg8 : memref<72xi32, #tpu.memory_space<vmem>>) semaphore(%arg14 : memref<!tpu.dma_semaphore, #tpu.memory_space<semaphore_mem>>)
    %dma_start3A_14 = arith.constant 0 : i32
    %dma_start3A_15 = tpu.memref_slice %arg2[%add3A_4, %dma_start3A_14] : memref<4608x256xf32, #tpu.memory_space<hbm>> -> memref<72x256xf32, #tpu.memory_space<hbm>>
    %dma_start3A_16 = arith.constant 0 : i32
    %dma_start3A_17 = tpu.memref_slice %arg2[%add3A_4, %dma_start3A_16] : memref<4608x256xf32, #tpu.memory_space<hbm>> -> memref<72x256xf32, #tpu.memory_space<hbm>>
    tpu.enqueue_dma source(%dma_start3A_17 : memref<72x256xf32, #tpu.memory_space<hbm>>) target(%arg12 : memref<72x256xf32, #tpu.memory_space<vmem>>) target_semaphore(%arg15 : memref<!tpu.dma_semaphore, #tpu.memory_space<semaphore_mem>>)
    %broadcast_in_dim3A = arith.constant 0.000000e+00 : f32
    %broadcast_in_dim3A_18 = vector.broadcast %broadcast_in_dim3A : f32 to vector<16xf32>
    %dma_wait3A = arith.constant 0 : i32
    %dma_wait3A_19 = arith.constant 0 : i32
    %dma_wait3A_20 = tpu.memref_slice %arg4[%dma_wait3A, %dma_wait3A_19] : memref<8192x256xf32, #tpu.memory_space<hbm>> -> memref<8192x256xf32, #tpu.memory_space<hbm>>
    tpu.wait_indirect_dma semaphore(%arg14 : memref<!tpu.dma_semaphore, #tpu.memory_space<semaphore_mem>>) src(%dma_wait3A_20 : memref<8192x256xf32, #tpu.memory_space<hbm>>) dst(%arg9 : memref<72x256xf32, #tpu.memory_space<vmem>>)
    %dma_wait3A_21 = arith.constant 0 : i32
    %dma_wait3A_22 = tpu.memref_slice %arg2[%mul3A_2, %dma_wait3A_21] : memref<4608x256xf32, #tpu.memory_space<hbm>> -> memref<72x256xf32, #tpu.memory_space<hbm>>
    %dma_wait3A_23 = arith.constant 0 : i32
    %dma_wait3A_24 = tpu.memref_slice %arg2[%mul3A_2, %dma_wait3A_23] : memref<4608x256xf32, #tpu.memory_space<hbm>> -> memref<72x256xf32, #tpu.memory_space<hbm>>
    tpu.wait_dma2 semaphore(%arg15 : memref<!tpu.dma_semaphore, #tpu.memory_space<semaphore_mem>>) src(%dma_wait3A_24 : memref<72x256xf32, #tpu.memory_space<hbm>>) dst(%arg11 : memref<72x256xf32, #tpu.memory_space<vmem>>)
    %scan3A = arith.constant 0 : i32
    %scan3A_25 = arith.constant 72 : i32
    %scan3A_26 = arith.addi %scan3A, %scan3A_25 : i32
    %scan3A_27 = arith.constant 1 : i32
    %scan3A_28 = scf.for %scan3A_48 = %scan3A to %scan3A_26 step %scan3A_27 iter_args(%scan3A_49 = %broadcast_in_dim3A_18) -> (vector<16xf32>)  : i32 {
      %get3A = arith.index_cast %scan3A_48 : i32 to index
      %get3A_50 = arith.constant 0 : index
      %get3A_51 = tpu.vector_load %arg11[%get3A, %get3A_50] {strides = array<i32>} : memref<72x256xf32, #tpu.memory_space<vmem>>, vector<1x16xf32>,
      %get3A_52 = vector.shape_cast %get3A_51 : vector<1x16xf32> to vector<16xf32>
      %get3A_53 = arith.index_cast %scan3A_48 : i32 to index
      %get3A_54 = arith.constant 0 : index
      %get3A_55 = tpu.vector_load %arg9[%get3A_53, %get3A_54] {strides = array<i32>} : memref<72x256xf32, #tpu.memory_space<vmem>>, vector<1x16xf32>,
      %get3A_56 = vector.shape_cast %get3A_55 : vector<1x16xf32> to vector<16xf32>
      %sub3A = arith.subf %get3A_52, %get3A_56 : vector<16xf32>
      %mul3A_57 = arith.mulf %sub3A, %sub3A : vector<16xf32>
      %add3A_58 = arith.addf %scan3A_49, %mul3A_57 : vector<16xf32>
      %get3A_59 = arith.index_cast %scan3A_48 : i32 to index
      %get3A_60 = arith.constant 16 : index
      %get3A_61 = tpu.vector_load %arg11[%get3A_59, %get3A_60] {strides = array<i32>} : memref<72x256xf32, #tpu.memory_space<vmem>>, vector<1x16xf32>,
      %get3A_62 = vector.shape_cast %get3A_61 : vector<1x16xf32> to vector<16xf32>
      %get3A_63 = arith.index_cast %scan3A_48 : i32 to index
      %get3A_64 = arith.constant 16 : index
      %get3A_65 = tpu.vector_load %arg9[%get3A_63, %get3A_64] {strides = array<i32>} : memref<72x256xf32, #tpu.memory_space<vmem>>, vector<1x16xf32>,
      %get3A_66 = vector.shape_cast %get3A_65 : vector<1x16xf32> to vector<16xf32>
      %sub3A_67 = arith.subf %get3A_62, %get3A_66 : vector<16xf32>
      %mul3A_68 = arith.mulf %sub3A_67, %sub3A_67 : vector<16xf32>
      %add3A_69 = arith.addf %add3A_58, %mul3A_68 : vector<16xf32>
      %get3A_70 = arith.index_cast %scan3A_48 : i32 to index
      %get3A_71 = arith.constant 32 : index
      %get3A_72 = tpu.vector_load %arg11[%get3A_70, %get3A_71] {strides = array<i32>} : memref<72x256xf32, #tpu.memory_space<vmem>>, vector<1x16xf32>,
      %get3A_73 = vector.shape_cast %get3A_72 : vector<1x16xf32> to vector<16xf32>
      %get3A_74 = arith.index_cast %scan3A_48 : i32 to index
      %get3A_75 = arith.constant 32 : index
      %get3A_76 = tpu.vector_load %arg9[%get3A_74, %get3A_75] {strides = array<i32>} : memref<72x256xf32, #tpu.memory_space<vmem>>, vector<1x16xf32>,
      %get3A_77 = vector.shape_cast %get3A_76 : vector<1x16xf32> to vector<16xf32>
      %sub3A_78 = arith.subf %get3A_73, %get3A_77 : vector<16xf32>
      %mul3A_79 = arith.mulf %sub3A_78, %sub3A_78 : vector<16xf32>
      %add3A_80 = arith.addf %add3A_69, %mul3A_79 : vector<16xf32>
      %get3A_81 = arith.index_cast %scan3A_48 : i32 to index
      %get3A_82 = arith.constant 48 : index
      %get3A_83 = tpu.vector_load %arg11[%get3A_81, %get3A_82] {strides = array<i32>} : memref<72x256xf32, #tpu.memory_space<vmem>>, vector<1x16xf32>,
      %get3A_84 = vector.shape_cast %get3A_83 : vector<1x16xf32> to vector<16xf32>
      %get3A_85 = arith.index_cast %scan3A_48 : i32 to index
      %get3A_86 = arith.constant 48 : index
      %get3A_87 = tpu.vector_load %arg9[%get3A_85, %get3A_86] {strides = array<i32>} : memref<72x256xf32, #tpu.memory_space<vmem>>, vector<1x16xf32>,
      %get3A_88 = vector.shape_cast %get3A_87 : vector<1x16xf32> to vector<16xf32>
      %sub3A_89 = arith.subf %get3A_84, %get3A_88 : vector<16xf32>
      %mul3A_90 = arith.mulf %sub3A_89, %sub3A_89 : vector<16xf32>
      %add3A_91 = arith.addf %add3A_80, %mul3A_90 : vector<16xf32>
      %get3A_92 = arith.index_cast %scan3A_48 : i32 to index
      %get3A_93 = arith.constant 64 : index
      %get3A_94 = tpu.vector_load %arg11[%get3A_92, %get3A_93] {strides = array<i32>} : memref<72x256xf32, #tpu.memory_space<vmem>>, vector<1x16xf32>,
      %get3A_95 = vector.shape_cast %get3A_94 : vector<1x16xf32> to vector<16xf32>
      %get3A_96 = arith.index_cast %scan3A_48 : i32 to index
      %get3A_97 = arith.constant 64 : index
      %get3A_98 = tpu.vector_load %arg9[%get3A_96, %get3A_97] {strides = array<i32>} : memref<72x256xf32, #tpu.memory_space<vmem>>, vector<1x16xf32>,
      %get3A_99 = vector.shape_cast %get3A_98 : vector<1x16xf32> to vector<16xf32>
      %sub3A_100 = arith.subf %get3A_95, %get3A_99 : vector<16xf32>
      %mul3A_101 = arith.mulf %sub3A_100, %sub3A_100 : vector<16xf32>
      %add3A_102 = arith.addf %add3A_91, %mul3A_101 : vector<16xf32>
      %get3A_103 = arith.index_cast %scan3A_48 : i32 to index
      %get3A_104 = arith.constant 80 : index
      %get3A_105 = tpu.vector_load %arg11[%get3A_103, %get3A_104] {strides = array<i32>} : memref<72x256xf32, #tpu.memory_space<vmem>>, vector<1x16xf32>,
      %get3A_106 = vector.shape_cast %get3A_105 : vector<1x16xf32> to vector<16xf32>
      %get3A_107 = arith.index_cast %scan3A_48 : i32 to index
      %get3A_108 = arith.constant 80 : index
      %get3A_109 = tpu.vector_load %arg9[%get3A_107, %get3A_108] {strides = array<i32>} : memref<72x256xf32, #tpu.memory_space<vmem>>, vector<1x16xf32>,
      %get3A_110 = vector.shape_cast %get3A_109 : vector<1x16xf32> to vector<16xf32>
      %sub3A_111 = arith.subf %get3A_106, %get3A_110 : vector<16xf32>
      %mul3A_112 = arith.mulf %sub3A_111, %sub3A_111 : vector<16xf32>
      %add3A_113 = arith.addf %add3A_102, %mul3A_112 : vector<16xf32>
      %get3A_114 = arith.index_cast %scan3A_48 : i32 to index
      %get3A_115 = arith.constant 96 : index
      %get3A_116 = tpu.vector_load %arg11[%get3A_114, %get3A_115] {strides = array<i32>} : memref<72x256xf32, #tpu.memory_space<vmem>>, vector<1x16xf32>,
      %get3A_117 = vector.shape_cast %get3A_116 : vector<1x16xf32> to vector<16xf32>
      %get3A_118 = arith.index_cast %scan3A_48 : i32 to index
      %get3A_119 = arith.constant 96 : index
      %get3A_120 = tpu.vector_load %arg9[%get3A_118, %get3A_119] {strides = array<i32>} : memref<72x256xf32, #tpu.memory_space<vmem>>, vector<1x16xf32>,
      %get3A_121 = vector.shape_cast %get3A_120 : vector<1x16xf32> to vector<16xf32>
      %sub3A_122 = arith.subf %get3A_117, %get3A_121 : vector<16xf32>
      %mul3A_123 = arith.mulf %sub3A_122, %sub3A_122 : vector<16xf32>
      %add3A_124 = arith.addf %add3A_113, %mul3A_123 : vector<16xf32>
      %get3A_125 = arith.index_cast %scan3A_48 : i32 to index
      %get3A_126 = arith.constant 112 : index
      %get3A_127 = tpu.vector_load %arg11[%get3A_125, %get3A_126] {strides = array<i32>} : memref<72x256xf32, #tpu.memory_space<vmem>>, vector<1x16xf32>,
      %get3A_128 = vector.shape_cast %get3A_127 : vector<1x16xf32> to vector<16xf32>
      %get3A_129 = arith.index_cast %scan3A_48 : i32 to index
      %get3A_130 = arith.constant 112 : index
      %get3A_131 = tpu.vector_load %arg9[%get3A_129, %get3A_130] {strides = array<i32>} : memref<72x256xf32, #tpu.memory_space<vmem>>, vector<1x16xf32>,
      %get3A_132 = vector.shape_cast %get3A_131 : vector<1x16xf32> to vector<16xf32>
      %sub3A_133 = arith.subf %get3A_128, %get3A_132 : vector<16xf32>
      %mul3A_134 = arith.mulf %sub3A_133, %sub3A_133 : vector<16xf32>
      %add3A_135 = arith.addf %add3A_124, %mul3A_134 : vector<16xf32>
      %get3A_136 = arith.index_cast %scan3A_48 : i32 to index
      %get3A_137 = arith.constant 128 : index
      %get3A_138 = tpu.vector_load %arg11[%get3A_136, %get3A_137] {strides = array<i32>} : memref<72x256xf32, #tpu.memory_space<vmem>>, vector<1x16xf32>,
      %get3A_139 = vector.shape_cast %get3A_138 : vector<1x16xf32> to vector<16xf32>
      %get3A_140 = arith.index_cast %scan3A_48 : i32 to index
      %get3A_141 = arith.constant 128 : index
      %get3A_142 = tpu.vector_load %arg9[%get3A_140, %get3A_141] {strides = array<i32>} : memref<72x256xf32, #tpu.memory_space<vmem>>, vector<1x16xf32>,
      %get3A_143 = vector.shape_cast %get3A_142 : vector<1x16xf32> to vector<16xf32>
      %sub3A_144 = arith.subf %get3A_139, %get3A_143 : vector<16xf32>
      %mul3A_145 = arith.mulf %sub3A_144, %sub3A_144 : vector<16xf32>
      %add3A_146 = arith.addf %add3A_135, %mul3A_145 : vector<16xf32>
      %get3A_147 = arith.index_cast %scan3A_48 : i32 to index
      %get3A_148 = arith.constant 144 : index
      %get3A_149 = tpu.vector_load %arg11[%get3A_147, %get3A_148] {strides = array<i32>} : memref<72x256xf32, #tpu.memory_space<vmem>>, vector<1x16xf32>,
      %get3A_150 = vector.shape_cast %get3A_149 : vector<1x16xf32> to vector<16xf32>
      %get3A_151 = arith.index_cast %scan3A_48 : i32 to index
      %get3A_152 = arith.constant 144 : index
      %get3A_153 = tpu.vector_load %arg9[%get3A_151, %get3A_152] {strides = array<i32>} : memref<72x256xf32, #tpu.memory_space<vmem>>, vector<1x16xf32>,
      %get3A_154 = vector.shape_cast %get3A_153 : vector<1x16xf32> to vector<16xf32>
      %sub3A_155 = arith.subf %get3A_150, %get3A_154 : vector<16xf32>
      %mul3A_156 = arith.mulf %sub3A_155, %sub3A_155 : vector<16xf32>
      %add3A_157 = arith.addf %add3A_146, %mul3A_156 : vector<16xf32>
      %get3A_158 = arith.index_cast %scan3A_48 : i32 to index
      %get3A_159 = arith.constant 160 : index
      %get3A_160 = tpu.vector_load %arg11[%get3A_158, %get3A_159] {strides = array<i32>} : memref<72x256xf32, #tpu.memory_space<vmem>>, vector<1x16xf32>,
      %get3A_161 = vector.shape_cast %get3A_160 : vector<1x16xf32> to vector<16xf32>
      %get3A_162 = arith.index_cast %scan3A_48 : i32 to index
      %get3A_163 = arith.constant 160 : index
      %get3A_164 = tpu.vector_load %arg9[%get3A_162, %get3A_163] {strides = array<i32>} : memref<72x256xf32, #tpu.memory_space<vmem>>, vector<1x16xf32>,
      %get3A_165 = vector.shape_cast %get3A_164 : vector<1x16xf32> to vector<16xf32>
      %sub3A_166 = arith.subf %get3A_161, %get3A_165 : vector<16xf32>
      %mul3A_167 = arith.mulf %sub3A_166, %sub3A_166 : vector<16xf32>
      %add3A_168 = arith.addf %add3A_157, %mul3A_167 : vector<16xf32>
      %get3A_169 = arith.index_cast %scan3A_48 : i32 to index
      %get3A_170 = arith.constant 176 : index
      %get3A_171 = tpu.vector_load %arg11[%get3A_169, %get3A_170] {strides = array<i32>} : memref<72x256xf32, #tpu.memory_space<vmem>>, vector<1x16xf32>,
      %get3A_172 = vector.shape_cast %get3A_171 : vector<1x16xf32> to vector<16xf32>
      %get3A_173 = arith.index_cast %scan3A_48 : i32 to index
      %get3A_174 = arith.constant 176 : index
      %get3A_175 = tpu.vector_load %arg9[%get3A_173, %get3A_174] {strides = array<i32>} : memref<72x256xf32, #tpu.memory_space<vmem>>, vector<1x16xf32>,
      %get3A_176 = vector.shape_cast %get3A_175 : vector<1x16xf32> to vector<16xf32>
      %sub3A_177 = arith.subf %get3A_172, %get3A_176 : vector<16xf32>
      %mul3A_178 = arith.mulf %sub3A_177, %sub3A_177 : vector<16xf32>
      %add3A_179 = arith.addf %add3A_168, %mul3A_178 : vector<16xf32>
      %get3A_180 = arith.index_cast %scan3A_48 : i32 to index
      %get3A_181 = arith.constant 192 : index
      %get3A_182 = tpu.vector_load %arg11[%get3A_180, %get3A_181] {strides = array<i32>} : memref<72x256xf32, #tpu.memory_space<vmem>>, vector<1x16xf32>,
      %get3A_183 = vector.shape_cast %get3A_182 : vector<1x16xf32> to vector<16xf32>
      %get3A_184 = arith.index_cast %scan3A_48 : i32 to index
      %get3A_185 = arith.constant 192 : index
      %get3A_186 = tpu.vector_load %arg9[%get3A_184, %get3A_185] {strides = array<i32>} : memref<72x256xf32, #tpu.memory_space<vmem>>, vector<1x16xf32>,
      %get3A_187 = vector.shape_cast %get3A_186 : vector<1x16xf32> to vector<16xf32>
      %sub3A_188 = arith.subf %get3A_183, %get3A_187 : vector<16xf32>
      %mul3A_189 = arith.mulf %sub3A_188, %sub3A_188 : vector<16xf32>
      %add3A_190 = arith.addf %add3A_179, %mul3A_189 : vector<16xf32>
      %get3A_191 = arith.index_cast %scan3A_48 : i32 to index
      %get3A_192 = arith.constant 208 : index
      %get3A_193 = tpu.vector_load %arg11[%get3A_191, %get3A_192] {strides = array<i32>} : memref<72x256xf32, #tpu.memory_space<vmem>>, vector<1x16xf32>,
      %get3A_194 = vector.shape_cast %get3A_193 : vector<1x16xf32> to vector<16xf32>
      %get3A_195 = arith.index_cast %scan3A_48 : i32 to index
      %get3A_196 = arith.constant 208 : index
      %get3A_197 = tpu.vector_load %arg9[%get3A_195, %get3A_196] {strides = array<i32>} : memref<72x256xf32, #tpu.memory_space<vmem>>, vector<1x16xf32>,
      %get3A_198 = vector.shape_cast %get3A_197 : vector<1x16xf32> to vector<16xf32>
      %sub3A_199 = arith.subf %get3A_194, %get3A_198 : vector<16xf32>
      %mul3A_200 = arith.mulf %sub3A_199, %sub3A_199 : vector<16xf32>
      %add3A_201 = arith.addf %add3A_190, %mul3A_200 : vector<16xf32>
      %get3A_202 = arith.index_cast %scan3A_48 : i32 to index
      %get3A_203 = arith.constant 224 : index
      %get3A_204 = tpu.vector_load %arg11[%get3A_202, %get3A_203] {strides = array<i32>} : memref<72x256xf32, #tpu.memory_space<vmem>>, vector<1x16xf32>,
      %get3A_205 = vector.shape_cast %get3A_204 : vector<1x16xf32> to vector<16xf32>
      %get3A_206 = arith.index_cast %scan3A_48 : i32 to index
      %get3A_207 = arith.constant 224 : index
      %get3A_208 = tpu.vector_load %arg9[%get3A_206, %get3A_207] {strides = array<i32>} : memref<72x256xf32, #tpu.memory_space<vmem>>, vector<1x16xf32>,
      %get3A_209 = vector.shape_cast %get3A_208 : vector<1x16xf32> to vector<16xf32>
      %sub3A_210 = arith.subf %get3A_205, %get3A_209 : vector<16xf32>
      %mul3A_211 = arith.mulf %sub3A_210, %sub3A_210 : vector<16xf32>
      %add3A_212 = arith.addf %add3A_201, %mul3A_211 : vector<16xf32>
      %get3A_213 = arith.index_cast %scan3A_48 : i32 to index
      %get3A_214 = arith.constant 240 : index
      %get3A_215 = tpu.vector_load %arg11[%get3A_213, %get3A_214] {strides = array<i32>} : memref<72x256xf32, #tpu.memory_space<vmem>>, vector<1x16xf32>,
      %get3A_216 = vector.shape_cast %get3A_215 : vector<1x16xf32> to vector<16xf32>
      %get3A_217 = arith.index_cast %scan3A_48 : i32 to index
      %get3A_218 = arith.constant 240 : index
      %get3A_219 = tpu.vector_load %arg9[%get3A_217, %get3A_218] {strides = array<i32>} : memref<72x256xf32, #tpu.memory_space<vmem>>, vector<1x16xf32>,
      %get3A_220 = vector.shape_cast %get3A_219 : vector<1x16xf32> to vector<16xf32>
      %sub3A_221 = arith.subf %get3A_216, %get3A_220 : vector<16xf32>
      %mul3A_222 = arith.mulf %sub3A_221, %sub3A_221 : vector<16xf32>
      %add3A_223 = arith.addf %add3A_212, %mul3A_222 : vector<16xf32>
      scf.yield %add3A_223 : vector<16xf32>
    }
    %scan3A_29 = arith.constant 72 : i32
    "tpu.region"() ({
      %run_scoped3A = tpu.sem_alloc : memref<!tpu.dma_semaphore, #tpu.memory_space<semaphore_mem>>
      %dma_start3A_48 = arith.constant 0 : i32
      %dma_start3A_49 = tpu.memref_slice %arg5[%mul3A_2, %dma_start3A_48] : memref<4608x256xf32, #tpu.memory_space<hbm>> -> memref<72x256xf32, #tpu.memory_space<hbm>>
      %dma_start3A_50 = arith.constant 0 : i32
      %dma_start3A_51 = tpu.memref_slice %arg5[%mul3A_2, %dma_start3A_50] : memref<4608x256xf32, #tpu.memory_space<hbm>> -> memref<72x256xf32, #tpu.memory_space<hbm>>
      tpu.enqueue_dma source(%arg9 : memref<72x256xf32, #tpu.memory_space<vmem>>) target(%dma_start3A_51 : memref<72x256xf32, #tpu.memory_space<hbm>>) target_semaphore(%run_scoped3A : memref<!tpu.dma_semaphore, #tpu.memory_space<semaphore_mem>>)
      %dma_wait3A_52 = arith.constant 0 : i32
      %dma_wait3A_53 = tpu.memref_slice %arg5[%mul3A_2, %dma_wait3A_52] : memref<4608x256xf32, #tpu.memory_space<hbm>> -> memref<72x256xf32, #tpu.memory_space<hbm>>
      %dma_wait3A_54 = arith.constant 0 : i32
      %dma_wait3A_55 = tpu.memref_slice %arg5[%mul3A_2, %dma_wait3A_54] : memref<4608x256xf32, #tpu.memory_space<hbm>> -> memref<72x256xf32, #tpu.memory_space<hbm>>
      tpu.wait_dma2 semaphore(%run_scoped3A : memref<!tpu.dma_semaphore, #tpu.memory_space<semaphore_mem>>) src(%arg9 : memref<72x256xf32, #tpu.memory_space<vmem>>) dst(%dma_wait3A_55 : memref<72x256xf32, #tpu.memory_space<hbm>>)
      tpu.yield
    }) : () -> ()
    %dma_wait3A_30 = arith.constant 0 : i32
    %dma_wait3A_31 = arith.constant 0 : i32
    %dma_wait3A_32 = tpu.memref_slice %arg4[%dma_wait3A_30, %dma_wait3A_31] : memref<8192x256xf32, #tpu.memory_space<hbm>> -> memref<8192x256xf32, #tpu.memory_space<hbm>>
    tpu.wait_indirect_dma semaphore(%arg14 : memref<!tpu.dma_semaphore, #tpu.memory_space<semaphore_mem>>) src(%dma_wait3A_32 : memref<8192x256xf32, #tpu.memory_space<hbm>>) dst(%arg10 : memref<72x256xf32, #tpu.memory_space<vmem>>)
    %dma_wait3A_33 = arith.constant 0 : i32
    %dma_wait3A_34 = tpu.memref_slice %arg2[%add3A_4, %dma_wait3A_33] : memref<4608x256xf32, #tpu.memory_space<hbm>> -> memref<72x256xf32, #tpu.memory_space<hbm>>
    %dma_wait3A_35 = arith.constant 0 : i32
    %dma_wait3A_36 = tpu.memref_slice %arg2[%add3A_4, %dma_wait3A_35] : memref<4608x256xf32, #tpu.memory_space<hbm>> -> memref<72x256xf32, #tpu.memory_space<hbm>>
    tpu.wait_dma2 semaphore(%arg15 : memref<!tpu.dma_semaphore, #tpu.memory_space<semaphore_mem>>) src(%dma_wait3A_36 : memref<72x256xf32, #tpu.memory_space<hbm>>) dst(%arg12 : memref<72x256xf32, #tpu.memory_space<vmem>>)
    %scan3A_37 = arith.constant 0 : i32
    %scan3A_38 = arith.constant 72 : i32
    %scan3A_39 = arith.addi %scan3A_37, %scan3A_38 : i32
    %scan3A_40 = arith.constant 1 : i32
    %scan3A_41 = scf.for %scan3A_48 = %scan3A_37 to %scan3A_39 step %scan3A_40 iter_args(%scan3A_49 = %scan3A_28) -> (vector<16xf32>)  : i32 {
      %get3A = arith.index_cast %scan3A_48 : i32 to index
      %get3A_50 = arith.constant 0 : index
      %get3A_51 = tpu.vector_load %arg12[%get3A, %get3A_50] {strides = array<i32>} : memref<72x256xf32, #tpu.memory_space<vmem>>, vector<1x16xf32>,
      %get3A_52 = vector.shape_cast %get3A_51 : vector<1x16xf32> to vector<16xf32>
      %get3A_53 = arith.index_cast %scan3A_48 : i32 to index
      %get3A_54 = arith.constant 0 : index
      %get3A_55 = tpu.vector_load %arg10[%get3A_53, %get3A_54] {strides = array<i32>} : memref<72x256xf32, #tpu.memory_space<vmem>>, vector<1x16xf32>,
      %get3A_56 = vector.shape_cast %get3A_55 : vector<1x16xf32> to vector<16xf32>
      %sub3A = arith.subf %get3A_52, %get3A_56 : vector<16xf32>
      %mul3A_57 = arith.mulf %sub3A, %sub3A : vector<16xf32>
      %add3A_58 = arith.addf %scan3A_49, %mul3A_57 : vector<16xf32>
      %get3A_59 = arith.index_cast %scan3A_48 : i32 to index
      %get3A_60 = arith.constant 16 : index
      %get3A_61 = tpu.vector_load %arg12[%get3A_59, %get3A_60] {strides = array<i32>} : memref<72x256xf32, #tpu.memory_space<vmem>>, vector<1x16xf32>,
      %get3A_62 = vector.shape_cast %get3A_61 : vector<1x16xf32> to vector<16xf32>
      %get3A_63 = arith.index_cast %scan3A_48 : i32 to index
      %get3A_64 = arith.constant 16 : index
      %get3A_65 = tpu.vector_load %arg10[%get3A_63, %get3A_64] {strides = array<i32>} : memref<72x256xf32, #tpu.memory_space<vmem>>, vector<1x16xf32>,
      %get3A_66 = vector.shape_cast %get3A_65 : vector<1x16xf32> to vector<16xf32>
      %sub3A_67 = arith.subf %get3A_62, %get3A_66 : vector<16xf32>
      %mul3A_68 = arith.mulf %sub3A_67, %sub3A_67 : vector<16xf32>
      %add3A_69 = arith.addf %add3A_58, %mul3A_68 : vector<16xf32>
      %get3A_70 = arith.index_cast %scan3A_48 : i32 to index
      %get3A_71 = arith.constant 32 : index
      %get3A_72 = tpu.vector_load %arg12[%get3A_70, %get3A_71] {strides = array<i32>} : memref<72x256xf32, #tpu.memory_space<vmem>>, vector<1x16xf32>,
      %get3A_73 = vector.shape_cast %get3A_72 : vector<1x16xf32> to vector<16xf32>
      %get3A_74 = arith.index_cast %scan3A_48 : i32 to index
      %get3A_75 = arith.constant 32 : index
      %get3A_76 = tpu.vector_load %arg10[%get3A_74, %get3A_75] {strides = array<i32>} : memref<72x256xf32, #tpu.memory_space<vmem>>, vector<1x16xf32>,
      %get3A_77 = vector.shape_cast %get3A_76 : vector<1x16xf32> to vector<16xf32>
      %sub3A_78 = arith.subf %get3A_73, %get3A_77 : vector<16xf32>
      %mul3A_79 = arith.mulf %sub3A_78, %sub3A_78 : vector<16xf32>
      %add3A_80 = arith.addf %add3A_69, %mul3A_79 : vector<16xf32>
      %get3A_81 = arith.index_cast %scan3A_48 : i32 to index
      %get3A_82 = arith.constant 48 : index
      %get3A_83 = tpu.vector_load %arg12[%get3A_81, %get3A_82] {strides = array<i32>} : memref<72x256xf32, #tpu.memory_space<vmem>>, vector<1x16xf32>,
      %get3A_84 = vector.shape_cast %get3A_83 : vector<1x16xf32> to vector<16xf32>
      %get3A_85 = arith.index_cast %scan3A_48 : i32 to index
      %get3A_86 = arith.constant 48 : index
      %get3A_87 = tpu.vector_load %arg10[%get3A_85, %get3A_86] {strides = array<i32>} : memref<72x256xf32, #tpu.memory_space<vmem>>, vector<1x16xf32>,
      %get3A_88 = vector.shape_cast %get3A_87 : vector<1x16xf32> to vector<16xf32>
      %sub3A_89 = arith.subf %get3A_84, %get3A_88 : vector<16xf32>
      %mul3A_90 = arith.mulf %sub3A_89, %sub3A_89 : vector<16xf32>
      %add3A_91 = arith.addf %add3A_80, %mul3A_90 : vector<16xf32>
      %get3A_92 = arith.index_cast %scan3A_48 : i32 to index
      %get3A_93 = arith.constant 64 : index
      %get3A_94 = tpu.vector_load %arg12[%get3A_92, %get3A_93] {strides = array<i32>} : memref<72x256xf32, #tpu.memory_space<vmem>>, vector<1x16xf32>,
      %get3A_95 = vector.shape_cast %get3A_94 : vector<1x16xf32> to vector<16xf32>
      %get3A_96 = arith.index_cast %scan3A_48 : i32 to index
      %get3A_97 = arith.constant 64 : index
      %get3A_98 = tpu.vector_load %arg10[%get3A_96, %get3A_97] {strides = array<i32>} : memref<72x256xf32, #tpu.memory_space<vmem>>, vector<1x16xf32>,
      %get3A_99 = vector.shape_cast %get3A_98 : vector<1x16xf32> to vector<16xf32>
      %sub3A_100 = arith.subf %get3A_95, %get3A_99 : vector<16xf32>
      %mul3A_101 = arith.mulf %sub3A_100, %sub3A_100 : vector<16xf32>
      %add3A_102 = arith.addf %add3A_91, %mul3A_101 : vector<16xf32>
      %get3A_103 = arith.index_cast %scan3A_48 : i32 to index
      %get3A_104 = arith.constant 80 : index
      %get3A_105 = tpu.vector_load %arg12[%get3A_103, %get3A_104] {strides = array<i32>} : memref<72x256xf32, #tpu.memory_space<vmem>>, vector<1x16xf32>,
      %get3A_106 = vector.shape_cast %get3A_105 : vector<1x16xf32> to vector<16xf32>
      %get3A_107 = arith.index_cast %scan3A_48 : i32 to index
      %get3A_108 = arith.constant 80 : index
      %get3A_109 = tpu.vector_load %arg10[%get3A_107, %get3A_108] {strides = array<i32>} : memref<72x256xf32, #tpu.memory_space<vmem>>, vector<1x16xf32>,
      %get3A_110 = vector.shape_cast %get3A_109 : vector<1x16xf32> to vector<16xf32>
      %sub3A_111 = arith.subf %get3A_106, %get3A_110 : vector<16xf32>
      %mul3A_112 = arith.mulf %sub3A_111, %sub3A_111 : vector<16xf32>
      %add3A_113 = arith.addf %add3A_102, %mul3A_112 : vector<16xf32>
      %get3A_114 = arith.index_cast %scan3A_48 : i32 to index
      %get3A_115 = arith.constant 96 : index
      %get3A_116 = tpu.vector_load %arg12[%get3A_114, %get3A_115] {strides = array<i32>} : memref<72x256xf32, #tpu.memory_space<vmem>>, vector<1x16xf32>,
      %get3A_117 = vector.shape_cast %get3A_116 : vector<1x16xf32> to vector<16xf32>
      %get3A_118 = arith.index_cast %scan3A_48 : i32 to index
      %get3A_119 = arith.constant 96 : index
      %get3A_120 = tpu.vector_load %arg10[%get3A_118, %get3A_119] {strides = array<i32>} : memref<72x256xf32, #tpu.memory_space<vmem>>, vector<1x16xf32>,
      %get3A_121 = vector.shape_cast %get3A_120 : vector<1x16xf32> to vector<16xf32>
      %sub3A_122 = arith.subf %get3A_117, %get3A_121 : vector<16xf32>
      %mul3A_123 = arith.mulf %sub3A_122, %sub3A_122 : vector<16xf32>
      %add3A_124 = arith.addf %add3A_113, %mul3A_123 : vector<16xf32>
      %get3A_125 = arith.index_cast %scan3A_48 : i32 to index
      %get3A_126 = arith.constant 112 : index
      %get3A_127 = tpu.vector_load %arg12[%get3A_125, %get3A_126] {strides = array<i32>} : memref<72x256xf32, #tpu.memory_space<vmem>>, vector<1x16xf32>,
      %get3A_128 = vector.shape_cast %get3A_127 : vector<1x16xf32> to vector<16xf32>
      %get3A_129 = arith.index_cast %scan3A_48 : i32 to index
      %get3A_130 = arith.constant 112 : index
      %get3A_131 = tpu.vector_load %arg10[%get3A_129, %get3A_130] {strides = array<i32>} : memref<72x256xf32, #tpu.memory_space<vmem>>, vector<1x16xf32>,
      %get3A_132 = vector.shape_cast %get3A_131 : vector<1x16xf32> to vector<16xf32>
      %sub3A_133 = arith.subf %get3A_128, %get3A_132 : vector<16xf32>
      %mul3A_134 = arith.mulf %sub3A_133, %sub3A_133 : vector<16xf32>
      %add3A_135 = arith.addf %add3A_124, %mul3A_134 : vector<16xf32>
      %get3A_136 = arith.index_cast %scan3A_48 : i32 to index
      %get3A_137 = arith.constant 128 : index
      %get3A_138 = tpu.vector_load %arg12[%get3A_136, %get3A_137] {strides = array<i32>} : memref<72x256xf32, #tpu.memory_space<vmem>>, vector<1x16xf32>,
      %get3A_139 = vector.shape_cast %get3A_138 : vector<1x16xf32> to vector<16xf32>
      %get3A_140 = arith.index_cast %scan3A_48 : i32 to index
      %get3A_141 = arith.constant 128 : index
      %get3A_142 = tpu.vector_load %arg10[%get3A_140, %get3A_141] {strides = array<i32>} : memref<72x256xf32, #tpu.memory_space<vmem>>, vector<1x16xf32>,
      %get3A_143 = vector.shape_cast %get3A_142 : vector<1x16xf32> to vector<16xf32>
      %sub3A_144 = arith.subf %get3A_139, %get3A_143 : vector<16xf32>
      %mul3A_145 = arith.mulf %sub3A_144, %sub3A_144 : vector<16xf32>
      %add3A_146 = arith.addf %add3A_135, %mul3A_145 : vector<16xf32>
      %get3A_147 = arith.index_cast %scan3A_48 : i32 to index
      %get3A_148 = arith.constant 144 : index
      %get3A_149 = tpu.vector_load %arg12[%get3A_147, %get3A_148] {strides = array<i32>} : memref<72x256xf32, #tpu.memory_space<vmem>>, vector<1x16xf32>,
      %get3A_150 = vector.shape_cast %get3A_149 : vector<1x16xf32> to vector<16xf32>
      %get3A_151 = arith.index_cast %scan3A_48 : i32 to index
      %get3A_152 = arith.constant 144 : index
      %get3A_153 = tpu.vector_load %arg10[%get3A_151, %get3A_152] {strides = array<i32>} : memref<72x256xf32, #tpu.memory_space<vmem>>, vector<1x16xf32>,
      %get3A_154 = vector.shape_cast %get3A_153 : vector<1x16xf32> to vector<16xf32>
      %sub3A_155 = arith.subf %get3A_150, %get3A_154 : vector<16xf32>
      %mul3A_156 = arith.mulf %sub3A_155, %sub3A_155 : vector<16xf32>
      %add3A_157 = arith.addf %add3A_146, %mul3A_156 : vector<16xf32>
      %get3A_158 = arith.index_cast %scan3A_48 : i32 to index
      %get3A_159 = arith.constant 160 : index
      %get3A_160 = tpu.vector_load %arg12[%get3A_158, %get3A_159] {strides = array<i32>} : memref<72x256xf32, #tpu.memory_space<vmem>>, vector<1x16xf32>,
      %get3A_161 = vector.shape_cast %get3A_160 : vector<1x16xf32> to vector<16xf32>
      %get3A_162 = arith.index_cast %scan3A_48 : i32 to index
      %get3A_163 = arith.constant 160 : index
      %get3A_164 = tpu.vector_load %arg10[%get3A_162, %get3A_163] {strides = array<i32>} : memref<72x256xf32, #tpu.memory_space<vmem>>, vector<1x16xf32>,
      %get3A_165 = vector.shape_cast %get3A_164 : vector<1x16xf32> to vector<16xf32>
      %sub3A_166 = arith.subf %get3A_161, %get3A_165 : vector<16xf32>
      %mul3A_167 = arith.mulf %sub3A_166, %sub3A_166 : vector<16xf32>
      %add3A_168 = arith.addf %add3A_157, %mul3A_167 : vector<16xf32>
      %get3A_169 = arith.index_cast %scan3A_48 : i32 to index
      %get3A_170 = arith.constant 176 : index
      %get3A_171 = tpu.vector_load %arg12[%get3A_169, %get3A_170] {strides = array<i32>} : memref<72x256xf32, #tpu.memory_space<vmem>>, vector<1x16xf32>,
      %get3A_172 = vector.shape_cast %get3A_171 : vector<1x16xf32> to vector<16xf32>
      %get3A_173 = arith.index_cast %scan3A_48 : i32 to index
      %get3A_174 = arith.constant 176 : index
      %get3A_175 = tpu.vector_load %arg10[%get3A_173, %get3A_174] {strides = array<i32>} : memref<72x256xf32, #tpu.memory_space<vmem>>, vector<1x16xf32>,
      %get3A_176 = vector.shape_cast %get3A_175 : vector<1x16xf32> to vector<16xf32>
      %sub3A_177 = arith.subf %get3A_172, %get3A_176 : vector<16xf32>
      %mul3A_178 = arith.mulf %sub3A_177, %sub3A_177 : vector<16xf32>
      %add3A_179 = arith.addf %add3A_168, %mul3A_178 : vector<16xf32>
      %get3A_180 = arith.index_cast %scan3A_48 : i32 to index
      %get3A_181 = arith.constant 192 : index
      %get3A_182 = tpu.vector_load %arg12[%get3A_180, %get3A_181] {strides = array<i32>} : memref<72x256xf32, #tpu.memory_space<vmem>>, vector<1x16xf32>,
      %get3A_183 = vector.shape_cast %get3A_182 : vector<1x16xf32> to vector<16xf32>
      %get3A_184 = arith.index_cast %scan3A_48 : i32 to index
      %get3A_185 = arith.constant 192 : index
      %get3A_186 = tpu.vector_load %arg10[%get3A_184, %get3A_185] {strides = array<i32>} : memref<72x256xf32, #tpu.memory_space<vmem>>, vector<1x16xf32>,
      %get3A_187 = vector.shape_cast %get3A_186 : vector<1x16xf32> to vector<16xf32>
      %sub3A_188 = arith.subf %get3A_183, %get3A_187 : vector<16xf32>
      %mul3A_189 = arith.mulf %sub3A_188, %sub3A_188 : vector<16xf32>
      %add3A_190 = arith.addf %add3A_179, %mul3A_189 : vector<16xf32>
      %get3A_191 = arith.index_cast %scan3A_48 : i32 to index
      %get3A_192 = arith.constant 208 : index
      %get3A_193 = tpu.vector_load %arg12[%get3A_191, %get3A_192] {strides = array<i32>} : memref<72x256xf32, #tpu.memory_space<vmem>>, vector<1x16xf32>,
      %get3A_194 = vector.shape_cast %get3A_193 : vector<1x16xf32> to vector<16xf32>
      %get3A_195 = arith.index_cast %scan3A_48 : i32 to index
      %get3A_196 = arith.constant 208 : index
      %get3A_197 = tpu.vector_load %arg10[%get3A_195, %get3A_196] {strides = array<i32>} : memref<72x256xf32, #tpu.memory_space<vmem>>, vector<1x16xf32>,
      %get3A_198 = vector.shape_cast %get3A_197 : vector<1x16xf32> to vector<16xf32>
      %sub3A_199 = arith.subf %get3A_194, %get3A_198 : vector<16xf32>
      %mul3A_200 = arith.mulf %sub3A_199, %sub3A_199 : vector<16xf32>
      %add3A_201 = arith.addf %add3A_190, %mul3A_200 : vector<16xf32>
      %get3A_202 = arith.index_cast %scan3A_48 : i32 to index
      %get3A_203 = arith.constant 224 : index
      %get3A_204 = tpu.vector_load %arg12[%get3A_202, %get3A_203] {strides = array<i32>} : memref<72x256xf32, #tpu.memory_space<vmem>>, vector<1x16xf32>,
      %get3A_205 = vector.shape_cast %get3A_204 : vector<1x16xf32> to vector<16xf32>
      %get3A_206 = arith.index_cast %scan3A_48 : i32 to index
      %get3A_207 = arith.constant 224 : index
      %get3A_208 = tpu.vector_load %arg10[%get3A_206, %get3A_207] {strides = array<i32>} : memref<72x256xf32, #tpu.memory_space<vmem>>, vector<1x16xf32>,
      %get3A_209 = vector.shape_cast %get3A_208 : vector<1x16xf32> to vector<16xf32>
      %sub3A_210 = arith.subf %get3A_205, %get3A_209 : vector<16xf32>
      %mul3A_211 = arith.mulf %sub3A_210, %sub3A_210 : vector<16xf32>
      %add3A_212 = arith.addf %add3A_201, %mul3A_211 : vector<16xf32>
      %get3A_213 = arith.index_cast %scan3A_48 : i32 to index
      %get3A_214 = arith.constant 240 : index
      %get3A_215 = tpu.vector_load %arg12[%get3A_213, %get3A_214] {strides = array<i32>} : memref<72x256xf32, #tpu.memory_space<vmem>>, vector<1x16xf32>,
      %get3A_216 = vector.shape_cast %get3A_215 : vector<1x16xf32> to vector<16xf32>
      %get3A_217 = arith.index_cast %scan3A_48 : i32 to index
      %get3A_218 = arith.constant 240 : index
      %get3A_219 = tpu.vector_load %arg10[%get3A_217, %get3A_218] {strides = array<i32>} : memref<72x256xf32, #tpu.memory_space<vmem>>, vector<1x16xf32>,
      %get3A_220 = vector.shape_cast %get3A_219 : vector<1x16xf32> to vector<16xf32>
      %sub3A_221 = arith.subf %get3A_216, %get3A_220 : vector<16xf32>
      %mul3A_222 = arith.mulf %sub3A_221, %sub3A_221 : vector<16xf32>
      %add3A_223 = arith.addf %add3A_212, %mul3A_222 : vector<16xf32>
      scf.yield %add3A_223 : vector<16xf32>
    }
    %scan3A_42 = arith.constant 72 : i32
    "tpu.region"() ({
      %run_scoped3A = tpu.sem_alloc : memref<!tpu.dma_semaphore, #tpu.memory_space<semaphore_mem>>
      %dma_start3A_48 = arith.constant 0 : i32
      %dma_start3A_49 = tpu.memref_slice %arg5[%add3A_4, %dma_start3A_48] : memref<4608x256xf32, #tpu.memory_space<hbm>> -> memref<72x256xf32, #tpu.memory_space<hbm>>
      %dma_start3A_50 = arith.constant 0 : i32
      %dma_start3A_51 = tpu.memref_slice %arg5[%add3A_4, %dma_start3A_50] : memref<4608x256xf32, #tpu.memory_space<hbm>> -> memref<72x256xf32, #tpu.memory_space<hbm>>
      tpu.enqueue_dma source(%arg10 : memref<72x256xf32, #tpu.memory_space<vmem>>) target(%dma_start3A_51 : memref<72x256xf32, #tpu.memory_space<hbm>>) target_semaphore(%run_scoped3A : memref<!tpu.dma_semaphore, #tpu.memory_space<semaphore_mem>>)
      %dma_wait3A_52 = arith.constant 0 : i32
      %dma_wait3A_53 = tpu.memref_slice %arg5[%add3A_4, %dma_wait3A_52] : memref<4608x256xf32, #tpu.memory_space<hbm>> -> memref<72x256xf32, #tpu.memory_space<hbm>>
      %dma_wait3A_54 = arith.constant 0 : i32
      %dma_wait3A_55 = tpu.memref_slice %arg5[%add3A_4, %dma_wait3A_54] : memref<4608x256xf32, #tpu.memory_space<hbm>> -> memref<72x256xf32, #tpu.memory_space<hbm>>
      tpu.wait_dma2 semaphore(%run_scoped3A : memref<!tpu.dma_semaphore, #tpu.memory_space<semaphore_mem>>) src(%arg10 : memref<72x256xf32, #tpu.memory_space<vmem>>) dst(%dma_wait3A_55 : memref<72x256xf32, #tpu.memory_space<hbm>>)
      tpu.yield
    }) : () -> ()
    %swap3A = arith.constant 0 : index
    %swap3A_43 = tpu.vector_load %arg13[%swap3A] {strides = array<i32>} : memref<16xf32, #tpu.memory_space<vmem>>, vector<16xf32>,
    %swap3A_44 = vector.shape_cast %swap3A_43 : vector<16xf32> to vector<16xf32>
    %swap3A_45 = vector.shape_cast %scan3A_41 : vector<16xf32> to vector<16xf32>
    tpu.vector_store %arg13[%swap3A], %swap3A_45 {strides = array<i32>} : memref<16xf32, #tpu.memory_space<vmem>>, vector<16xf32>,
    %mul3A_46 = arith.constant 16 : i32
    %mul3A_47 = arith.muli %add3A, %mul3A_46 : i32
    "tpu.region"() ({
      %run_scoped3A = tpu.sem_alloc : memref<!tpu.dma_semaphore, #tpu.memory_space<semaphore_mem>>
      %dma_start3A_48 = tpu.memref_slice %arg6[%mul3A_47] : memref<512xf32, #tpu.memory_space<hbm>> -> memref<16xf32, #tpu.memory_space<hbm>>
      %dma_start3A_49 = tpu.memref_slice %arg6[%mul3A_47] : memref<512xf32, #tpu.memory_space<hbm>> -> memref<16xf32, #tpu.memory_space<hbm>>
      tpu.enqueue_dma source(%arg13 : memref<16xf32, #tpu.memory_space<vmem>>) target(%dma_start3A_49 : memref<16xf32, #tpu.memory_space<hbm>>) target_semaphore(%run_scoped3A : memref<!tpu.dma_semaphore, #tpu.memory_space<semaphore_mem>>)
      %dma_wait3A_50 = tpu.memref_slice %arg6[%mul3A_47] : memref<512xf32, #tpu.memory_space<hbm>> -> memref<16xf32, #tpu.memory_space<hbm>>
      %dma_wait3A_51 = tpu.memref_slice %arg6[%mul3A_47] : memref<512xf32, #tpu.memory_space<hbm>> -> memref<16xf32, #tpu.memory_space<hbm>>
      tpu.wait_dma2 semaphore(%run_scoped3A : memref<!tpu.dma_semaphore, #tpu.memory_space<semaphore_mem>>) src(%arg13 : memref<16xf32, #tpu.memory_space<vmem>>) dst(%dma_wait3A_51 : memref<16xf32, #tpu.memory_space<hbm>>)
      tpu.yield
    }) : () -> ()
    return
  }
}

module attributes {stable_mosaic.version = 14 : i64} {
  func.func @_tc_body(%arg0: i32, %arg1: memref<4608x256xf32, #tpu.memory_space<vmem>>, %arg2: memref<256x1024xf32, #tpu.memory_space<vmem>>, %arg3: memref<1x8192xf32, #tpu.memory_space<vmem>>, %arg4: memref<256x1024xf32, #tpu.memory_space<vmem>>, %arg5: memref<4608x1xi32, #tpu.memory_space<vmem>>, %arg6: memref<1024x256xf32, #tpu.memory_space<vmem>>, %arg7: memref<4608x1xf32, #tpu.memory_space<vmem>>, %arg8: memref<4608x1xi32, #tpu.memory_space<vmem>>, %arg9: memref<4608x1xf32, #tpu.memory_space<vmem>>, %arg10: memref<4608x256xf32, #tpu.memory_space<vmem>>, %arg11: memref<4608x256xbf16, #tpu.memory_space<vmem>>, %arg12: memref<1x1xf32, #tpu.memory_space<vmem>>) attributes {dimension_semantics = [#tpu.dimension_semantics<arbitrary>], iteration_bounds = array<i64: 16>, scalar_prefetch = 0 : i64, scratch_operands = 6 : i64, tpu.core_type = #tpu.core_type<tc>, window_params = [{pipeline_mode = #tpu.pipeline_mode<synchronous>, transform_indices = @transform_0, window_bounds = array<i64: 4608, 256>}, {transform_indices = @transform_1, window_bounds = array<i64: 256, 1024>}, {pipeline_mode = #tpu.pipeline_mode<synchronous>, transform_indices = @transform_2, window_bounds = array<i64: 1, 8192>}, {transform_indices = @transform_3, window_bounds = array<i64: 256, 1024>}, {pipeline_mode = #tpu.pipeline_mode<synchronous>, transform_indices = @transform_4, window_bounds = array<i64: 4608, 1>}, {transform_indices = @transform_5, window_bounds = array<i64: 1024, 256>}]} {
    %eq3A = arith.constant 0 : i32
    %eq3A_0 = arith.cmpi eq, %arg0, %eq3A : i32
    %convert_element_type3A = arith.extui %eq3A_0 : i1 to i32
    %cond3A = arith.constant 0 : i32
    %cond3A_1 = arith.cmpi ne, %convert_element_type3A, %cond3A : i32
    scf.if %cond3A_1 {
      %get3A = arith.constant 0 : index
      %get3A_10 = arith.constant 0 : index
      %get3A_11 = vector.load %arg1[%get3A, %get3A_10] : memref<4608x256xf32, #tpu.memory_space<vmem>>, vector<4608x256xf32>
      %mul3A = arith.constant -2.000000e+00 : f32
      %mul3A_12 = vector.broadcast %mul3A : f32 to vector<4608x256xf32>
      %mul3A_13 = arith.mulf %get3A_11, %mul3A_12 : vector<4608x256xf32>
      %swap3A = arith.constant 0 : index
      %swap3A_14 = arith.constant 0 : index
      %swap3A_15 = vector.load %arg10[%swap3A, %swap3A_14] : memref<4608x256xf32, #tpu.memory_space<vmem>>, vector<4608x256xf32>
      tpu.vector_store %arg10[%swap3A, %swap3A_14], %mul3A_13 {strides = array<i32>} : memref<4608x256xf32, #tpu.memory_space<vmem>>, vector<4608x256xf32>,
      %convert_element_type3A_16 = arith.truncf %get3A_11 : vector<4608x256xf32> to vector<4608x256xbf16>
      %swap3A_17 = arith.constant 0 : index
      %swap3A_18 = arith.constant 0 : index
      %swap3A_19 = vector.load %arg11[%swap3A_17, %swap3A_18] : memref<4608x256xbf16, #tpu.memory_space<vmem>>, vector<4608x256xbf16>
      tpu.vector_store %arg11[%swap3A_17, %swap3A_18], %convert_element_type3A_16 {strides = array<i32>} : memref<4608x256xbf16, #tpu.memory_space<vmem>>, vector<4608x256xbf16>,
      %mul3A_20 = arith.mulf %get3A_11, %get3A_11 : vector<4608x256xf32>
      %reduce_sum3A = arith.constant dense<0.000000e+00> : vector<4608xf32>
      %reduce_sum3A_21 = vector.multi_reduction <add>, %mul3A_20, %reduce_sum3A [1] : vector<4608x256xf32> to vector<4608xf32>
      %broadcast_in_dim3A = vector.shape_cast %reduce_sum3A_21 : vector<4608xf32> to vector<4608x1xf32>
      %swap3A_22 = arith.constant 0 : index
      %swap3A_23 = arith.constant 0 : index
      %swap3A_24 = vector.load %arg9[%swap3A_22, %swap3A_23] : memref<4608x1xf32, #tpu.memory_space<vmem>>, vector<4608x1xf32>
      tpu.vector_store %arg9[%swap3A_22, %swap3A_23], %broadcast_in_dim3A {strides = array<i32>} : memref<4608x1xf32, #tpu.memory_space<vmem>>, vector<4608x1xf32>,
      %broadcast_in_dim3A_25 = arith.constant 0x7F800000 : f32
      %broadcast_in_dim3A_26 = vector.broadcast %broadcast_in_dim3A_25 : f32 to vector<4608x1xf32>
      %swap3A_27 = arith.constant 0 : index
      %swap3A_28 = arith.constant 0 : index
      %swap3A_29 = vector.load %arg7[%swap3A_27, %swap3A_28] : memref<4608x1xf32, #tpu.memory_space<vmem>>, vector<4608x1xf32>
      tpu.vector_store %arg7[%swap3A_27, %swap3A_28], %broadcast_in_dim3A_26 {strides = array<i32>} : memref<4608x1xf32, #tpu.memory_space<vmem>>, vector<4608x1xf32>,
      %broadcast_in_dim3A_30 = arith.constant 0 : i32
      %broadcast_in_dim3A_31 = vector.broadcast %broadcast_in_dim3A_30 : i32 to vector<4608x1xi32>
      %swap3A_32 = arith.constant 0 : index
      %swap3A_33 = arith.constant 0 : index
      %swap3A_34 = vector.load %arg8[%swap3A_32, %swap3A_33] : memref<4608x1xi32, #tpu.memory_space<vmem>>, vector<4608x1xi32>
      tpu.vector_store %arg8[%swap3A_32, %swap3A_33], %broadcast_in_dim3A_31 {strides = array<i32>} : memref<4608x1xi32, #tpu.memory_space<vmem>>, vector<4608x1xi32>,
      %get3A_35 = arith.constant 0 : index
      %get3A_36 = arith.constant 0 : index
      %get3A_37 = vector.load %arg3[%get3A_35, %get3A_36] : memref<1x8192xf32, #tpu.memory_space<vmem>>, vector<1x8192xf32>
      %reduce_sum3A_38 = vector.shape_cast %get3A_37 : vector<1x8192xf32> to vector<1x1x8192xf32>
      %reduce_sum3A_39 = arith.constant dense<0.000000e+00> : vector<1xf32>
      %reduce_sum3A_40 = vector.multi_reduction <add>, %reduce_sum3A_38, %reduce_sum3A_39 [1, 2] : vector<1x1x8192xf32> to vector<1xf32>
      %reduce_sum3A_41 = vector.shape_cast %reduce_sum3A_40 : vector<1xf32> to vector<1x1x1xf32>
      %reduce_sum3A_42 = vector.extract %reduce_sum3A_41[0, 0, 0] : f32 from vector<1x1x1xf32>
      %broadcast_in_dim3A_43 = vector.broadcast %reduce_sum3A_42 : f32 to vector<1x1xf32>
      %mul3A_44 = arith.constant 9.900000e-01 : f32
      %mul3A_45 = vector.broadcast %mul3A_44 : f32 to vector<1x1xf32>
      %mul3A_46 = arith.mulf %broadcast_in_dim3A_43, %mul3A_45 : vector<1x1xf32>
      %add3A = arith.constant 4.608000e+01 : f32
      %add3A_47 = vector.broadcast %add3A : f32 to vector<1x1xf32>
      %add3A_48 = arith.addf %mul3A_46, %add3A_47 : vector<1x1xf32>
      %swap3A_49 = arith.constant 0 : index
      %swap3A_50 = arith.constant 0 : index
      %swap3A_51 = vector.load %arg12[%swap3A_49, %swap3A_50] : memref<1x1xf32, #tpu.memory_space<vmem>>, vector<1x1xf32>
      tpu.vector_store %arg12[%swap3A_49, %swap3A_50], %add3A_48 {strides = array<i32>} : memref<1x1xf32, #tpu.memory_space<vmem>>, vector<1x1xf32>,
    } else {
    }
    %lt3A = arith.constant 8 : i32
    %lt3A_2 = arith.cmpi slt, %arg0, %lt3A : i32
    %convert_element_type3A_3 = arith.extui %lt3A_2 : i1 to i32
    %cond3A_4 = arith.constant 0 : i32
    %cond3A_5 = arith.cmpi ne, %convert_element_type3A_3, %cond3A_4 : i32
    scf.if %cond3A_5 {
      %get3A = arith.constant 0 : index
      %get3A_10 = arith.constant 0 : index
      %get3A_11 = vector.load %arg2[%get3A, %get3A_10] : memref<256x1024xf32, #tpu.memory_space<vmem>>, vector<256x1024xf32>
      %get3A_12 = arith.constant 0 : index
      %get3A_13 = arith.constant 0 : index
      %get3A_14 = vector.load %arg10[%get3A_12, %get3A_13] : memref<4608x256xf32, #tpu.memory_space<vmem>>, vector<4608x256xf32>
      %dot_general3A = arith.constant dense<0.000000e+00> : vector<4608x1024xf32>
      %dot_general3A_15 = tpu.matmul %get3A_14, %get3A_11, %dot_general3A {dimension_numbers = #tpu.dot_dimension_numbers<[1], [0], [0], [1], [0, 0, 1, 1], [], []>, transpose_lhs_hint = false} : vector<4608x256xf32>, vector<256x1024xf32>, vector<4608x1024xf32> -> vector<4608x1024xf32>
      %mul3A = arith.mulf %get3A_11, %get3A_11 : vector<256x1024xf32>
      %reduce_sum3A = arith.constant dense<0.000000e+00> : vector<1024xf32>
      %reduce_sum3A_16 = vector.multi_reduction <add>, %mul3A, %reduce_sum3A [0] : vector<256x1024xf32> to vector<1024xf32>
      %broadcast_in_dim3A = vector.shape_cast %reduce_sum3A_16 : vector<1024xf32> to vector<1x1024xf32>
      %get3A_17 = arith.constant 0 : index
      %get3A_18 = arith.constant 0 : index
      %get3A_19 = vector.load %arg9[%get3A_17, %get3A_18] : memref<4608x1xf32, #tpu.memory_space<vmem>>, vector<4608x1xf32>
      %add3A = vector.broadcast %get3A_19 : vector<4608x1xf32> to vector<4608x1024xf32>
      %add3A_20 = arith.addf %add3A, %dot_general3A_15 : vector<4608x1024xf32>
      %add3A_21 = vector.broadcast %broadcast_in_dim3A : vector<1x1024xf32> to vector<4608x1024xf32>
      %add3A_22 = arith.addf %add3A_20, %add3A_21 : vector<4608x1024xf32>
      %reduce_min3A = arith.constant dense<0x7F800000> : vector<4608xf32>
      %reduce_min3A_23 = vector.multi_reduction <minimumf>, %add3A_22, %reduce_min3A [1] : vector<4608x1024xf32> to vector<4608xf32>
      %broadcast_in_dim3A_24 = vector.shape_cast %reduce_min3A_23 : vector<4608xf32> to vector<4608x1xf32>
      %iota3A = tpu.iota {dimensions = array<i32: 1>} : vector<4608x1024xi32>
      %convert_element_type3A_25 = arith.sitofp %iota3A : vector<4608x1024xi32> to vector<4608x1024xf32>
      %eq3A_26 = vector.broadcast %broadcast_in_dim3A_24 : vector<4608x1xf32> to vector<4608x1024xf32>
      %eq3A_27 = arith.cmpf oeq, %add3A_22, %eq3A_26 : vector<4608x1024xf32>
      %jit3A = arith.constant 1.000000e+09 : f32
      %broadcast_in_dim3A_28 = vector.broadcast %jit3A : f32 to vector<4608x1024xf32>
      %select_n3A = arith.select %eq3A_27, %convert_element_type3A_25, %broadcast_in_dim3A_28 : vector<4608x1024xi1>, vector<4608x1024xf32>
      %reduce_min3A_29 = arith.constant dense<0x7F800000> : vector<4608xf32>
      %reduce_min3A_30 = vector.multi_reduction <minimumf>, %select_n3A, %reduce_min3A_29 [1] : vector<4608x1024xf32> to vector<4608xf32>
      %broadcast_in_dim3A_31 = vector.shape_cast %reduce_min3A_30 : vector<4608xf32> to vector<4608x1xf32>
      %convert_element_type3A_32 = arith.fptosi %broadcast_in_dim3A_31 : vector<4608x1xf32> to vector<4608x1xi32>
      %mul3A_33 = arith.constant 1024 : i32
      %mul3A_34 = arith.muli %arg0, %mul3A_33 : i32
      %add3A_35 = vector.broadcast %mul3A_34 : i32 to vector<4608x1xi32>
      %add3A_36 = arith.addi %convert_element_type3A_32, %add3A_35 : vector<4608x1xi32>
      %get3A_37 = arith.constant 0 : index
      %get3A_38 = arith.constant 0 : index
      %get3A_39 = vector.load %arg7[%get3A_37, %get3A_38] : memref<4608x1xf32, #tpu.memory_space<vmem>>, vector<4608x1xf32>
      %lt3A_40 = arith.cmpf olt, %broadcast_in_dim3A_24, %get3A_39 : vector<4608x1xf32>
      %get3A_41 = arith.constant 0 : index
      %get3A_42 = arith.constant 0 : index
      %get3A_43 = vector.load %arg7[%get3A_41, %get3A_42] : memref<4608x1xf32, #tpu.memory_space<vmem>>, vector<4608x1xf32>
      %select_n3A_44 = arith.select %lt3A_40, %broadcast_in_dim3A_24, %get3A_43 : vector<4608x1xi1>, vector<4608x1xf32>
      %swap3A = arith.constant 0 : index
      %swap3A_45 = arith.constant 0 : index
      %swap3A_46 = vector.load %arg7[%swap3A, %swap3A_45] : memref<4608x1xf32, #tpu.memory_space<vmem>>, vector<4608x1xf32>
      tpu.vector_store %arg7[%swap3A, %swap3A_45], %select_n3A_44 {strides = array<i32>} : memref<4608x1xf32, #tpu.memory_space<vmem>>, vector<4608x1xf32>,
      %get3A_47 = arith.constant 0 : index
      %get3A_48 = arith.constant 0 : index
      %get3A_49 = vector.load %arg8[%get3A_47, %get3A_48] : memref<4608x1xi32, #tpu.memory_space<vmem>>, vector<4608x1xi32>
      %select_n3A_50 = arith.select %lt3A_40, %add3A_36, %get3A_49 : vector<4608x1xi1>, vector<4608x1xi32>
      %swap3A_51 = arith.constant 0 : index
      %swap3A_52 = arith.constant 0 : index
      %swap3A_53 = vector.load %arg8[%swap3A_51, %swap3A_52] : memref<4608x1xi32, #tpu.memory_space<vmem>>, vector<4608x1xi32>
      tpu.vector_store %arg8[%swap3A_51, %swap3A_52], %select_n3A_50 {strides = array<i32>} : memref<4608x1xi32, #tpu.memory_space<vmem>>, vector<4608x1xi32>,
      %eq3A_54 = arith.constant 7 : i32
      %eq3A_55 = arith.cmpi eq, %arg0, %eq3A_54 : i32
      %convert_element_type3A_56 = arith.extui %eq3A_55 : i1 to i32
      %cond3A_57 = arith.constant 0 : i32
      %cond3A_58 = arith.cmpi ne, %convert_element_type3A_56, %cond3A_57 : i32
      scf.if %cond3A_58 {
        %get3A_59 = arith.constant 0 : index
        %get3A_60 = arith.constant 0 : index
        %get3A_61 = vector.load %arg8[%get3A_59, %get3A_60] : memref<4608x1xi32, #tpu.memory_space<vmem>>, vector<4608x1xi32>
        %swap3A_62 = arith.constant 0 : index
        %swap3A_63 = arith.constant 0 : index
        %swap3A_64 = vector.load %arg5[%swap3A_62, %swap3A_63] : memref<4608x1xi32, #tpu.memory_space<vmem>>, vector<4608x1xi32>
        tpu.vector_store %arg5[%swap3A_62, %swap3A_63], %get3A_61 {strides = array<i32>} : memref<4608x1xi32, #tpu.memory_space<vmem>>, vector<4608x1xi32>,
      } else {
      }
    } else {
    }
    %ge3A = arith.constant 8 : i32
    %ge3A_6 = arith.cmpi sge, %arg0, %ge3A : i32
    %convert_element_type3A_7 = arith.extui %ge3A_6 : i1 to i32
    %cond3A_8 = arith.constant 0 : i32
    %cond3A_9 = arith.cmpi ne, %convert_element_type3A_7, %cond3A_8 : i32
    scf.if %cond3A_9 {
      %sub3A = arith.constant 8 : i32
      %sub3A_10 = arith.subi %arg0, %sub3A : i32
      %iota3A = tpu.iota {dimensions = array<i32: 1>} : vector<4608x1024xi32>
      %mul3A = arith.constant 1024 : i32
      %mul3A_11 = arith.muli %sub3A_10, %mul3A : i32
      %add3A = vector.broadcast %mul3A_11 : i32 to vector<4608x1024xi32>
      %add3A_12 = arith.addi %iota3A, %add3A : vector<4608x1024xi32>
      %get3A = arith.constant 0 : index
      %get3A_13 = arith.constant 0 : index
      %get3A_14 = vector.load %arg8[%get3A, %get3A_13] : memref<4608x1xi32, #tpu.memory_space<vmem>>, vector<4608x1xi32>
      %eq3A_15 = vector.broadcast %get3A_14 : vector<4608x1xi32> to vector<4608x1024xi32>
      %eq3A_16 = arith.cmpi eq, %eq3A_15, %add3A_12 : vector<4608x1024xi32>
      %convert_element_type3A_17 = arith.extui %eq3A_16 : vector<4608x1024xi1> to vector<4608x1024xi32>
      %convert_element_type3A_18 = arith.sitofp %convert_element_type3A_17 : vector<4608x1024xi32> to vector<4608x1024xf32>
      %convert_element_type3A_19 = arith.truncf %convert_element_type3A_18 : vector<4608x1024xf32> to vector<4608x1024xbf16>
      %convert_element_type3A_20 = arith.extf %convert_element_type3A_19 : vector<4608x1024xbf16> to vector<4608x1024xf32>
      %reduce_sum3A = arith.constant dense<0.000000e+00> : vector<1024xf32>
      %reduce_sum3A_21 = vector.multi_reduction <add>, %convert_element_type3A_20, %reduce_sum3A [0] : vector<4608x1024xf32> to vector<1024xf32>
      %broadcast_in_dim3A = vector.shape_cast %reduce_sum3A_21 : vector<1024xf32> to vector<1x1024xf32>
      %get3A_22 = arith.constant 0 : index
      %get3A_23 = arith.constant 0 : index
      %get3A_24 = vector.load %arg11[%get3A_22, %get3A_23] : memref<4608x256xbf16, #tpu.memory_space<vmem>>, vector<4608x256xbf16>
      %dot_general3A = arith.constant dense<0.000000e+00> : vector<256x1024xf32>
      %dot_general3A_25 = tpu.matmul %get3A_24, %convert_element_type3A_19, %dot_general3A {dimension_numbers = #tpu.dot_dimension_numbers<[0], [0], [1], [1], [0, 1, 1, 1], [], []>, transpose_lhs_hint = false} : vector<4608x256xbf16>, vector<4608x1024xbf16>, vector<256x1024xf32> -> vector<256x1024xf32>
      %mul3A_26 = arith.constant 1024 : i32
      %mul3A_27 = arith.muli %sub3A_10, %mul3A_26 : i32
      %get3A_28 = arith.constant 0 : index
      %get3A_29 = arith.index_cast %mul3A_27 : i32 to index
      %get3A_30 = vector.load %arg3[%get3A_28, %get3A_29] : memref<1x8192xf32, #tpu.memory_space<vmem>>, vector<1x1024xf32>
      %get3A_31 = arith.constant 0 : index
      %get3A_32 = arith.constant 0 : index
      %get3A_33 = vector.load %arg12[%get3A_31, %get3A_32] : memref<1x1xf32, #tpu.memory_space<vmem>>, vector<1x1xf32>
      %get3A_34 = vector.extract %get3A_33[0, 0] : f32 from vector<1x1xf32>
      %mul3A_35 = arith.constant 9.900000e-01 : f32
      %mul3A_36 = vector.broadcast %mul3A_35 : f32 to vector<1x1024xf32>
      %mul3A_37 = arith.mulf %get3A_30, %mul3A_36 : vector<1x1024xf32>
      %mul3A_38 = arith.constant 0.00999999977 : f32
      %mul3A_39 = vector.broadcast %mul3A_38 : f32 to vector<1x1024xf32>
      %mul3A_40 = arith.mulf %broadcast_in_dim3A, %mul3A_39 : vector<1x1024xf32>
      %add3A_41 = arith.addf %mul3A_37, %mul3A_40 : vector<1x1024xf32>
      %add3A_42 = arith.constant 9.99999974E-6 : f32
      %add3A_43 = vector.broadcast %add3A_42 : f32 to vector<1x1024xf32>
      %add3A_44 = arith.addf %add3A_41, %add3A_43 : vector<1x1024xf32>
      %mul3A_45 = vector.broadcast %get3A_34 : f32 to vector<1x1024xf32>
      %mul3A_46 = arith.mulf %add3A_44, %mul3A_45 : vector<1x1024xf32>
      %add3A_47 = arith.constant 0.0819199979 : f32
      %add3A_48 = arith.addf %get3A_34, %add3A_47 : f32
      %div3A = vector.broadcast %add3A_48 : f32 to vector<1x1024xf32>
      %div3A_49 = arith.divf %mul3A_46, %div3A : vector<1x1024xf32>
      %div3A_50 = arith.constant 1.000000e+00 : f32
      %div3A_51 = vector.broadcast %div3A_50 : f32 to vector<1x1024xf32>
      %div3A_52 = arith.divf %div3A_51, %div3A_49 : vector<1x1024xf32>
      %get3A_53 = arith.constant 0 : index
      %get3A_54 = arith.constant 0 : index
      %get3A_55 = vector.load %arg4[%get3A_53, %get3A_54] : memref<256x1024xf32, #tpu.memory_space<vmem>>, vector<256x1024xf32>
      %mul3A_56 = arith.constant 9.900000e-01 : f32
      %mul3A_57 = vector.broadcast %mul3A_56 : f32 to vector<256x1024xf32>
      %mul3A_58 = arith.mulf %get3A_55, %mul3A_57 : vector<256x1024xf32>
      %mul3A_59 = arith.constant 0.00999999977 : f32
      %mul3A_60 = vector.broadcast %mul3A_59 : f32 to vector<256x1024xf32>
      %mul3A_61 = arith.mulf %dot_general3A_25, %mul3A_60 : vector<256x1024xf32>
      %add3A_62 = arith.addf %mul3A_58, %mul3A_61 : vector<256x1024xf32>
      %mul3A_63 = vector.broadcast %div3A_52 : vector<1x1024xf32> to vector<256x1024xf32>
      %mul3A_64 = arith.mulf %add3A_62, %mul3A_63 : vector<256x1024xf32>
      %transpose3A = tpu.transpose %mul3A_64, [1, 0] : vector<256x1024xf32> -> vector<1024x256xf32>
      %swap3A = arith.constant 0 : index
      %swap3A_65 = arith.constant 0 : index
      %swap3A_66 = vector.load %arg6[%swap3A, %swap3A_65] : memref<1024x256xf32, #tpu.memory_space<vmem>>, vector<1024x256xf32>
      tpu.vector_store %arg6[%swap3A, %swap3A_65], %transpose3A {strides = array<i32>} : memref<1024x256xf32, #tpu.memory_space<vmem>>, vector<1024x256xf32>,
    } else {
    }
    return
  }
  func.func @transform_0(%arg0: i32) -> (i32, i32) {
    %c0_i32 = arith.constant 0 : i32
    %c0_i32_0 = arith.constant 0 : i32
    %c0_i32_1 = arith.constant 0 : i32
    return %c0_i32, %c0_i32_0 : i32, i32
  }
  func.func @transform_1(%arg0: i32) -> (i32, i32) {
    %min3A = arith.constant 7 : i32
    %min3A_0 = arith.minsi %arg0, %min3A : i32
    %c0_i32 = arith.constant 0 : i32
    %c0_i32_1 = arith.constant 0 : i32
    return %c0_i32, %min3A_0 : i32, i32
  }
  func.func @transform_2(%arg0: i32) -> (i32, i32) {
    %c0_i32 = arith.constant 0 : i32
    %c0_i32_0 = arith.constant 0 : i32
    %c0_i32_1 = arith.constant 0 : i32
    return %c0_i32, %c0_i32_0 : i32, i32
  }
  func.func @transform_3(%arg0: i32) -> (i32, i32) {
    %sub3A = arith.constant 8 : i32
    %sub3A_0 = arith.subi %arg0, %sub3A : i32
    %max3A = arith.constant 0 : i32
    %max3A_1 = arith.maxsi %sub3A_0, %max3A : i32
    %c0_i32 = arith.constant 0 : i32
    %c0_i32_2 = arith.constant 0 : i32
    return %c0_i32, %max3A_1 : i32, i32
  }
  func.func @transform_4(%arg0: i32) -> (i32, i32) {
    %c0_i32 = arith.constant 0 : i32
    %c0_i32_0 = arith.constant 0 : i32
    %c0_i32_1 = arith.constant 0 : i32
    return %c0_i32, %c0_i32_0 : i32, i32
  }
  func.func @transform_5(%arg0: i32) -> (i32, i32) {
    %sub3A = arith.constant 8 : i32
    %sub3A_0 = arith.subi %arg0, %sub3A : i32
    %max3A = arith.constant 0 : i32
    %max3A_1 = arith.maxsi %sub3A_0, %max3A : i32
    %c0_i32 = arith.constant 0 : i32
    %c0_i32_2 = arith.constant 0 : i32
    return %max3A_1, %c0_i32 : i32, i32
  }
}

</mosaic_0001>

<sc_bundles>
// kernel: kernel.4.cloned.1.call-start
scs
__scs_entry_jumppad:
0x0: {  	(pc) =	sbr.rel $0x88, $3  }
0x1: {  	(tag) =	ssettag $0x0;
	lr =	simm.s32 $0x1  }
0x2: {  	[smem:$0x3F9D] =	sst lr;
	_ =	strace $0xD0000000  }
0x3: {  	_ = 	snop  }
0x4: {  	_ = 	snop  }
0x5: {  	_ = 	snop  }
0x6: {  	_ = 	snop  }
0x7: {  	_ = 	snop  }
__scs_overlays_trampoline_lowered:
0x8: {  	[smem:$0x3FAC] =	sst s0  }
0x9: {  	[smem:$0x3FAD] =	sst s1  }
0xa: {  	[smem:$0x3FAE] =	sst s2  }
0xb: {  	[smem:$0x3FAF] =	sst s3  }
0xc: {  	[smem:$0x3FB0] =	sst s4  }
0xd: {  	[smem:$0x3FB1] =	sst s5  }
0xe: {  	[smem:$0x3FB2] =	sst s6  }
0xf: {  	[smem:$0x3FB3] =	sst s7  }
0x10: {  	[smem:$0x3FB4] =	sst s8  }
0x11: {  	[smem:$0x3FB5] =	sst s9;
	s0 =	simm.s32 @!p0 $0x0  }
0x12: {  	s1 =	sld [smem:$0x3F9B];
	s0 =	simm.s32 @p0 $0x1  }
0x13: {  	[smem:$0x3FB6] =	sst s0;
	s0 =	simm.s32 @!p1 $0x0  }
0x14: {  	s2 =	sld [smem:$0x3F9A];
	s0 =	simm.s32 @p1 $0x1  }
0x15: {  	[smem:$0x3FB7] =	sst s0;
	s0 =	simm.s32 @!p2 $0x0  }
0x16: {  	s3 =	sld [smem:$0x3FDB];
	s0 =	simm.s32 @p2 $0x1  }
0x17: {  	s4 =	simm.s32 $0x1BF5;
	[smem:$0x3FB9] =	sst s0  }
0x18: {  	s0 =	sld [smem:$0x3F9C];
	_ =	swait.ge [sflag:s4], $0x0  }
0x19: {  	s7 =	sld [smem:$0x3F9D]  }
0x1a: {  	s8 =	sadd.s32 $0xFFFFE003, lr  }
0x1b: {  	s9 =	sadd.s32 $0xFFFFFEF7, lr;
	s5 =	simm.s32 $0xFFFFFFFF;
	p2 =	slt.u32 s8, $0xFFFFF086  }
0x1c: {  	p1 =	slt.u32 s9, $0xF7A;
	s5 =	simm.s32 @!p2 $0x0  }
0x1d: {  	s5 =	simm.s32 @p1 $0x1;
	p0 =	seq.s32 s7, s2  }
0x1e: {  	s7 =	smul.u32 @!p0 $0xF7A, s2;
	p2 =	seq.s32 @!p0 s5, $0x0  }
0x1f: {  	s9 =	smul.u32 $0xF7A, s1;
	s8 =	simm.s32 @!p0 $0x1BF5;
	p2 =	por !p2, p0  }
0x20: {  	[sflag:s8] =	ssyncset.s32 @!p0 $0xFFFFF086;
	s6 =	sadd.s32 @!p0 s3, s7;
	s7 =	simm.s32 @!p0 $0x108  }
0x21: {  	s3 =	sadd.s32 s3, s9;
	s6 =	sadd.s32 @!p0 $0x88, s6;
	s7 =	simm.s32 @p2 $0x1082  }
0x22: {  	[simem:s7], [sflag:s8] =	dma.local @!p0 [hbm:s6], $0xF7A  }
0x23: {  	s9 =	sor.u32 $0xD0000000, s2;
	s6 =	simm.s32 $0x108;
	_ =	swait.ge @!p0 [sflag:s8], $0x0  }
0x24: {  	s3 =	sadd.s32 $0x88, s3;
	s6 =	simm.s32 @!p1 $0x1082;
	[sflag:s4] =	ssyncset.s32 $0xFFFFF086  }
0x25: {  	[simem:s6], [sflag:s4] =	dma.local [hbm:s3], $0xF7A  }
0x26: {  	[smem:$0x3F9D] =	sst s1;
	(tag) =	ssettag s2;
	_ =	strace s9  }
0x27: {  	s1 =	sld [smem:$0x3FAD]  }
0x28: {  	s2 =	sld [smem:$0x3FAE]  }
0x29: {  	s4 =	sld [smem:$0x3FB0]  }
0x2a: {  	p0 =	seq.s32 s5, $0x0;
	s5 =	sld [smem:$0x3FB1]  }
0x2b: {  	s6 =	sld [smem:$0x3FB2]  }
0x2c: {  	s7 =	sld [smem:$0x3FB3]  }
0x2d: {  	s3 =	simm.s32 $0x108;
	s8 =	sld [smem:$0x3FB4]  }
0x2e: {  	s3 =	simm.s32 @!p0 $0x1082;
	s9 =	sld [smem:$0x3FB5]  }
0x2f: {  	lr =	sadd.s32 s0, s3;
	s0 =	sld [smem:$0x3FAC]  }
0x30: {  	s3 =	sld [smem:$0x3FAF]  }
0x31: {  	[smem:$0x3FB8] =	sst s10  }
0x32: {  	s10 =	sld [smem:$0x3FB6];
	_ =	sdelay $0x3  }
0x33: {  	p0 =	seq.s32 s10, $0x1;
	s10 =	sld [smem:$0x3FB8];
	_ =	sdelay $0x3  }
0x34: {  	[smem:$0x3FB8] =	sst s10  }
0x35: {  	s10 =	sld [smem:$0x3FB7];
	_ =	sdelay $0x3  }
0x36: {  	p1 =	seq.s32 s10, $0x1;
	s10 =	sld [smem:$0x3FB8];
	_ =	sdelay $0x3  }
0x37: {  	[smem:$0x3FB8] =	sst s10  }
0x38: {  	s10 =	sld [smem:$0x3FB9]  }
0x39: {  	_ = 	snop;
	(pc) =	sbr.ind lr, $3  }
0x3a: {  	_ = 	snop  }
0x3b: {  	_ = 	snop  }
0x3c: {  	p2 =	seq.s32 s10, $0x1;
	s10 =	sld [smem:$0x3FB8]  }
0x3d: {  	_ =	shalt  }
0x3e: {  	_ =	shalt  }
0x3f: {  	_ =	shalt  }
0x40: {  	_ =	shalt  }
0x41: {  	_ =	shalt  }
0x42: {  	_ =	shalt  }
0x43: {  	_ =	shalt  }
0x44: {  	_ =	shalt  }
0x45: {  	_ =	shalt  }
0x46: {  	_ =	shalt  }
0x47: {  	_ =	shalt  }
0x48: {  	_ =	shalt  }
0x49: {  	_ =	shalt  }
0x4a: {  	_ =	shalt  }
0x4b: {  	_ =	shalt  }
0x4c: {  	_ =	shalt  }
0x4d: {  	_ =	shalt  }
0x4e: {  	_ =	shalt  }
0x4f: {  	_ =	shalt  }
0x50: {  	_ =	shalt  }
0x51: {  	_ =	shalt  }
0x52: {  	_ =	shalt  }
0x53: {  	_ =	shalt  }
0x54: {  	_ =	shalt  }
0x55: {  	_ =	shalt  }
0x56: {  	_ =	shalt  }
0x57: {  	_ =	shalt  }
0x58: {  	_ =	shalt  }
0x59: {  	_ =	shalt  }
0x5a: {  	_ =	shalt  }
0x5b: {  	_ =	shalt  }
0x5c: {  	_ =	shalt  }
0x5d: {  	_ =	shalt  }
0x5e: {  	_ =	shalt  }
0x5f: {  	_ =	shalt  }
0x60: {  	_ =	shalt  }
0x61: {  	_ =	shalt  }
0x62: {  	_ =	shalt  }
0x63: {  	_ =	shalt  }
0x64: {  	_ =	shalt  }
0x65: {  	_ =	shalt  }
0x66: {  	_ =	shalt  }
0x67: {  	_ =	shalt  }
0x68: {  	_ =	shalt  }
0x69: {  	_ =	shalt  }
0x6a: {  	_ =	shalt  }
0x6b: {  	_ =	shalt  }
0x6c: {  	_ =	shalt  }
0x6d: {  	_ =	shalt  }
0x6e: {  	_ =	shalt  }
0x6f: {  	_ =	shalt  }
0x70: {  	_ =	shalt  }
0x71: {  	_ =	shalt  }
0x72: {  	_ =	shalt  }
0x73: {  	_ =	shalt  }
0x74: {  	_ =	shalt  }
0x75: {  	_ =	shalt  }
0x76: {  	_ =	shalt  }
0x77: {  	_ =	shalt  }
0x78: {  	_ =	shalt  }
0x79: {  	_ =	shalt  }
0x7a: {  	_ =	shalt  }
0x7b: {  	_ =	shalt  }
0x7c: {  	_ =	shalt  }
0x7d: {  	_ =	shalt  }
0x7e: {  	_ =	shalt  }
0x7f: {  	_ =	shalt  }
0x80: {  	_ =	shalt  }
0x81: {  	_ =	shalt  }
0x82: {  	_ =	shalt  }
0x83: {  	_ =	shalt  }
0x84: {  	_ =	shalt  }
0x85: {  	_ =	shalt  }
0x86: {  	_ =	shalt  }
0x87: {  	_ =	shalt  }
.Lfunc_end0:
.L_simem_size_0:
called_computation_lowered:
.L_overlay_start_0:
0x88: {  	s2 =	sld [smem:$0x3FD9]  }
0x89: {  	s3 =	sld [smem:$0x3FFE];
	_ =	sdelay $0x1  }
0x8a: {  	s1 =	srdreg.scid  }
0x8b: {  	s0 =	sand.u32 $0x1, s1  }
0x8c: {  	s14 =	sshll.u32 s0, $0xA;
	s2 =	sadd.s32 s3, s2  }
0x8d: {  	s2 =	sadd.s32 s2, s14  }
0x8e: {  	[smem:$0x3FC4] =	sst s2  }
0x8f: {  	_ = 	snop  }
0x90: {  	s2 =	sld [smem:$0x3FD0];
	_ =	sdelay $0x2  }
0x91: {  	s4 =	simm.s32 $0xA;
	s5 =	simm.s32 $0x10;
	s15 =	sld [smem:$0x3FC9]  }
0x92: {  	[smem:s5], [sflag:s4] =	dma.local [hbm:s2], $0x1  }
0x93: {  	_ =	swait.eq [sflag:s4], $0x1  }
0x94: {  	[sflag:s4] =	ssyncset.done $0x0  }
0x95: {  	[sflag:s4] =	ssyncadd.s32 $0xFFFFFFFF  }
0x96: {  	s16 =	sld [smem:$0x10];
	(tm) =	ssettm $0x1  }
0x97: {  	s17 =	sld [smem:$0x3FFB];
	_ =	sdelay $0x3  }
0x98: {  	_ =	strace s17  }
0x99: {  	s4 =	sld [smem:$0x3FFC];
	_ =	sdelay $0x3  }
0x9a: {  	_ =	strace s4  }
0x9b: {  	s4 =	sld [smem:$0x3FFD];
	_ =	sdelay $0x3  }
0x9c: {  	_ =	strace s4  }
0x9d: {  	_ =	strace $0x8FFFFFFF  }
0x9e: {  	s18 =	sld [smem:$0x3FDB];
	_ =	sdelay $0x1  }
0x9f: {  	s19 =	simm.s32 $_scs_section_size  }
0xa0: {  	s6 =	simm.s32 $_size__tile_overlayer_lowered;
	s7 =	simm.s32 $_tile_overlayer_lowered  }
0xa1: {  	s22 =	simm.s32 $0x1BFF;
	s21 =	sshll.u32 s7, $0x1;
	s4 =	sadd.s32 s19, s18  }
0xa2: {  	s8 =	simm.s32 $0x0;
	s20 =	sshll.u32 s6, $0x1;
	s6 =	sadd.s32 s21, s4  }
0xa3: {  	[timem:s8], [sflag:s22] =	dma.local [hbm:s6], s20  }
0xa4: {  	_ =	swait.ge [sflag:s22], s20  }
0xa5: {  	s5 =	ssub.s32 $0x0, s20;
	[sflag:s22] =	ssyncset.done $0x0  }
0xa6: {  	[sflag:s22] =	ssyncadd.s32 s5;
	_ =	sdelay $0x1  }
0xa7: {  	s23 =	simm.s32 $0x1B8B  }
0xa8: {  	_ =	swait.ge [sflag:s23], $0x1  }
0xa9: {  	[sflag:s23] =	ssyncset.done $0x0  }
0xaa: {  	s25 =	simm.s32 $0x1B8E;
	s24 =	sld [smem:$0x3FFE];
	[sflag:s23] =	ssyncadd.s32 $0xFFFFFFFF  }
0xab: {  	s26 =	simm.s32 $execute0_lowered;
	[smem:$0x3FD2] =	sst s25  }
0xac: {  	s6 =	sshll.u32 s26, $0x1;
	_ =	strace $0x80000046;
	[dreg:$0x1] =	wrdreg $0xFFFFFFFF  }
0xad: {  	s28 =	simm.s32 $_size_execute0_lowered;
	s4 =	sadd.s32 s4, s6;
	[dreg:$0x0] =	wrdreg $0x0  }
0xae: {  	s6 =	sshll.u32 s28, $0x1;
	[dreg:$0x2] =	wrdreg s4  }
0xaf: {  	[dreg:$0x3] =	wrdreg s6  }
0xb0: {  	[dreg:$0x4] =	wrdreg $0xC0  }
0xb1: {  	_ =	task [dreg:s8], $0x5FFFF  }
0xb2: {  	[dreg:$0x1] =	wrdreg $0xFFFFFFFF  }
0xb3: {  	[dreg:$0x0] =	wrdreg $0x60  }
0xb4: {  	[dreg:$0x2] =	wrdreg s15  }
0xb5: {  	[dreg:$0x3] =	wrdreg s24  }
0xb6: {  	[dreg:$0x4] =	wrdreg s16  }
0xb7: {  	[dreg:$0x5] =	wrdreg $0x9  }
0xb8: {  	_ =	task.clear_ibuf [dreg:s8], $0x6FFFF;
	_ =	strace $0x90000046  }
0xb9: {  	s29 =	simm.s32 $0x9;
	_ =	strace $0x80000048  }
0xba: {  	_ =	swait.ge [sflag:s29], $0x1  }
0xbb: {  	[sflag:s29] =	ssyncadd.s32 $0xFFFFFFFF  }
0xbc: {  	_ =	strace $0x90000048  }
0xbd: {  	_ =	sfence  }
0xbe: {  	s30 =	sld [smem:$0x0];
	_ =	sdelay $0x2  }
0xbf: {  	s31 =	sshll.u32 s1, $0xD;
	s1 =	sshrl.u32 s1, $0x2  }
0xc0: {  	s3 =	sand.u32 $0x4000, s31;
	s1 =	sadd.s32 s1, s30  }
0xc1: {  	s0 =	sor.u32 s3, s0;
	s1 =	sshll.u32 s1, $0x11  }
0xc2: {  	s0 =	sor.u32 s1, s0  }
0xc3: {  	s0 =	sadd.s32 $0x8F2B, s0  }
0xc4: {  	[sflag:s0] =	ssyncadd.remote.s32 $0x1  }
0xc5: {  	_ =	sfence.sel $0xFFFF  }
0xc6: {  	[dreg:$0x0] =	wrdreg $0xFFFFFFFF;
	(pc) =	sbr.abs _section_cstart, $3  }
0xc7: {  	[dreg:$0x1] =	wrdreg $0xFFFFFFFF  }
0xc8: {  	_ =	task.clear_ibuf [dreg:s8], $0x2FFFF;
	_ =	strace $0x9FFFFFFF  }
0xc9: {  	(tm) =	ssettm $0x7FFFFFFF  }
tec
execute0_lowered:
.L_overlay_start_1:
0x0: {  	(tag) =	ssettag $0x1  }
0x1: {  	s0 =	rddreg [dreg:$0x0]  }
0x2: {  	s1 =	rddreg [dreg:$0x1]  }
0x3: {  	s9 =	rddreg [dreg:$0x2]  }
0x4: {  	s2 =	simm.s32 $0x0;
	s3 =	srdreg.scid;
	s4 =	stileid.u32  }
0x5: {  	s12 =	simm.s32 $0x3;
	s13 =	simm.s32 $0x100;
	s28 =	simm.s32 $0x6100  }
0x6: {  	s29 =	simm.s32 $0x6900;
	s30 =	simm.s32 $0x7100;
	s31 =	simm.s32 $0x7900  }
0x7: {  	s14 =	simm.s32 $0xD900;
	s15 =	simm.s32 $0x1;
	s16 =	simm.s32 $0x2  }
0x8: {  	s17 =	simm.s32 $0x12100;
	s18 =	simm.s32 $0x0;
	[smem:$0x7FF] =	sst s2  }
0x9: {  	s3 =	sand.u32 $0x1, s3;
	s4 =	sshll.u32 s4, $0x1;
	s6 =	sadd.s32 $0x40600, s1  }
0xa: {  	_ =	strace $0x80000047;
	s4 =	sor.u32 s3, s4;
	s5 =	ssub.s32 $0x2, s3  }
0xb: {  	s3 =	sadd.s32 $0x600, s1;
	s7 =	sshll.u32 s4, $0x1;
	s10 =	smul.u32 $0x90, s4  }
0xc: {  	s8 =	sshrl.u32 s5, $0x1;
	s24 =	smul.u32 $0x1200, s4;
	s1 =	sadd.s32 s7, s1  }
0xd: {  	s11 =	ssub.s32 s5, s8;
	s22 =	sadd.s32 $0x48, s10;
	s23 =	sshrl.u32 s10, $0x3  }
0xe: {  	s5 =	sadd.s32 s0, s24;
	s8 =	sadd.s32 s9, s24;
	s10 =	sadd.s32 $0x40A00, s1  }
0xf: {  	s11 =	smax.u32 s11, $0x1;
	s24 =	simm.s32 $0x4900;
	s1 =	simm.s32 $0x8900  }
0x10: {  	v2 =	vlaneseq.u32;
	s4 =	sadd.s32 s6, s23;
	s25 =	sshrl.u32 s22, $0x3;
	s26 =	sshll.u32 s22, $0x5  }
0x11: {  	vm0 =	vmmov $0xffff;
	v1 =	vshrl.u32 v2, $0x3;
	s6 =	sadd.s32 s6, s25;
	s7 =	sadd.s32 s0, s26;
	s9 =	sadd.s32 s9, s26  }
0x12: {  	v0 =	vand.u32 $0x7, v2;
	v2 =	vor.u32 $0x8, v2;
	v1 =	vmul.u32 $0x8, v1;
	s25 =	simm.s32 $0x5100;
	s26 =	simm.s32 $0x5900;
	s0 =	simm.s32 $0x8100  }
.LBB2_1:
0x13: {  	[tilespmem:s2], [sflag:$0x3] =	stream.linear.gather [hbm4b:s4+s2], $0x48, $0x38;
	[tilespmem:$0x12180] =	vst v63  }
0x14: {  	_ =	swait.ge [sflag:s12], $0x48  }
0x15: {  	[sflag:s12] =	ssyncset.done $0x0  }
0x16: {  	[sflag:s12] =	ssyncadd.s32 $0xFFFFFFB8  }
0x17: {  	v3 =	vld [tilespmem:$0x0];
	_ =	sdelay $0x4  }
0x18: {  	v4 =	vshll.u32 v3, $0x1  }
0x19: {  	v3 =	vand.u32 $0x7, v3;
	v4 =	vand.u32 $0xFFFFFFF0, v4  }
0x1a: {  	v3 =	vor.u32 v3, v4  }
0x1b: {  	v4 =	vperm.xlane v3, v0;
	_ =	sdelay $0x1  }
0x1c: {  	v3 =	vperm.xlane v3, v2;
	v4 =	vadd.s32 v1, v4;
	_ =	sdelay $0x1  }
0x1d: {  	v3 =	vadd.s32 v1, v3;
	_ =	sdelay $0x2  }
0x1e: {  	[tilespmem:s13], [sflag:$0x1] =	stream.indirect_vreg.gather [hbm4b:s3+s2], $0x80, v4, vm0, $0xb8;
	[tilespmem:$0x12180] =	vst v63  }
0x1f: {  	s19 =	simm.s32 $0x900  }
0x20: {  	[tilespmem:s19], [sflag:$0x1] =	stream.indirect_vreg.gather [hbm4b:s3+s2], $0x80, v3, vm0, $0xb8;
	[tilespmem:$0x12180] =	vst v63  }
0x21: {  	v3 =	vld [tilespmem:$0x10];
	_ =	sdelay $0x4  }
0x22: {  	v4 =	vshll.u32 v3, $0x1  }
0x23: {  	v3 =	vand.u32 $0x7, v3;
	v4 =	vand.u32 $0xFFFFFFF0, v4  }
0x24: {  	v3 =	vor.u32 v3, v4  }
0x25: {  	v4 =	vperm.xlane v3, v0;
	_ =	sdelay $0x1  }
0x26: {  	v3 =	vperm.xlane v3, v2;
	v4 =	vadd.s32 v1, v4;
	_ =	sdelay $0x1  }
0x27: {  	v3 =	vadd.s32 v1, v3;
	_ =	sdelay $0x1  }
0x28: {  	s21 =	simm.s32 $0x1100  }
0x29: {  	[tilespmem:s21], [sflag:$0x1] =	stream.indirect_vreg.gather [hbm4b:s3+s2], $0x80, v4, vm0, $0xb8;
	[tilespmem:$0x12180] =	vst v63  }
0x2a: {  	s22 =	simm.s32 $0x1900  }
0x2b: {  	[tilespmem:s22], [sflag:$0x1] =	stream.indirect_vreg.gather [hbm4b:s3+s2], $0x80, v3, vm0, $0xb8;
	[tilespmem:$0x12180] =	vst v63  }
0x2c: {  	v3 =	vld [tilespmem:$0x20];
	_ =	sdelay $0x4  }
0x2d: {  	v4 =	vshll.u32 v3, $0x1  }
0x2e: {  	v3 =	vand.u32 $0x7, v3;
	v4 =	vand.u32 $0xFFFFFFF0, v4  }
0x2f: {  	v3 =	vor.u32 v3, v4  }
0x30: {  	v4 =	vperm.xlane v3, v0;
	_ =	sdelay $0x1  }
0x31: {  	v3 =	vperm.xlane v3, v2;
	v4 =	vadd.s32 v1, v4;
	_ =	sdelay $0x1  }
0x32: {  	v3 =	vadd.s32 v1, v3;
	_ =	sdelay $0x1  }
0x33: {  	s23 =	simm.s32 $0x2100  }
0x34: {  	[tilespmem:s23], [sflag:$0x1] =	stream.indirect_vreg.gather [hbm4b:s3+s2], $0x80, v4, vm0, $0xb8;
	[tilespmem:$0x12180] =	vst v63  }
0x35: {  	s20 =	simm.s32 $0x2900  }
0x36: {  	[tilespmem:s20], [sflag:$0x1] =	stream.indirect_vreg.gather [hbm4b:s3+s2], $0x80, v3, vm0, $0xb8;
	[tilespmem:$0x12180] =	vst v63  }
0x37: {  	v3 =	vld [tilespmem:$0x30];
	_ =	sdelay $0x4  }
0x38: {  	v4 =	vshll.u32 v3, $0x1  }
0x39: {  	v3 =	vand.u32 $0x7, v3;
	v4 =	vand.u32 $0xFFFFFFF0, v4  }
0x3a: {  	v3 =	vor.u32 v3, v4  }
0x3b: {  	v4 =	vperm.xlane v3, v0;
	_ =	sdelay $0x1  }
0x3c: {  	v3 =	vperm.xlane v3, v2;
	v4 =	vadd.s32 v1, v4;
	_ =	sdelay $0x1  }
0x3d: {  	v3 =	vadd.s32 v1, v3;
	_ =	sdelay $0x1  }
0x3e: {  	s21 =	simm.s32 $0x3100  }
0x3f: {  	[tilespmem:s21], [sflag:$0x1] =	stream.indirect_vreg.gather [hbm4b:s3+s2], $0x80, v4, vm0, $0xb8;
	[tilespmem:$0x12180] =	vst v63  }
0x40: {  	s22 =	simm.s32 $0x3900  }
0x41: {  	[tilespmem:s22], [sflag:$0x1] =	stream.indirect_vreg.gather [hbm4b:s3+s2], $0x80, v3, vm0, $0xb8;
	[tilespmem:$0x12180] =	vst v63  }
0x42: {  	v3 =	vld.msk [tilespmem:$0x40], $0xff;
	_ =	sdelay $0x4  }
0x43: {  	v4 =	vshll.u32 v3, $0x1  }
0x44: {  	v3 =	vand.u32 $0x7, v3;
	v4 =	vand.u32 $0xFFFFFFF0, v4  }
0x45: {  	v3 =	vor.u32 v3, v4  }
0x46: {  	v3 =	vperm.xlane v3, v0;
	_ =	sdelay $0x1  }
0x47: {  	v3 =	vadd.s32 v1, v3;
	_ =	sdelay $0x3  }
0x48: {  	s23 =	simm.s32 $0x4100  }
0x49: {  	[tilespmem:s23], [sflag:$0x1] =	stream.indirect_vreg.gather [hbm4b:s3+s2], $0x80, v3, vm0, $0xb8;
	[tilespmem:$0x12180] =	vst v63  }
0x4a: {  	s20 =	simm.s32 $0x9100  }
0x4b: {  	[tilespmem:s20], [sflag:$0x2] =	stream.linear.gather [hbm4b:s5+s2], $0x4800, $0x38;
	[tilespmem:$0x12180] =	vst v63  }
0x4c: {  	s21 =	simm.s32 $0x80  }
0x4d: {  	[tilespmem:s21], [sflag:$0x3] =	stream.linear.gather [hbm4b:s6+s2], $0x48, $0x38;
	[tilespmem:$0x12180] =	vst v63  }
0x4e: {  	_ =	swait.ge [sflag:s12], $0x48  }
0x4f: {  	[sflag:s12] =	ssyncset.done $0x0  }
0x50: {  	[sflag:s12] =	ssyncadd.s32 $0xFFFFFFB8  }
0x51: {  	v3 =	vld [tilespmem:$0x80];
	_ =	sdelay $0x4  }
0x52: {  	v4 =	vshll.u32 v3, $0x1  }
0x53: {  	v3 =	vand.u32 $0x7, v3;
	v4 =	vand.u32 $0xFFFFFFF0, v4  }
0x54: {  	v3 =	vor.u32 v3, v4  }
0x55: {  	v4 =	vperm.xlane v3, v0;
	_ =	sdelay $0x1  }
0x56: {  	v3 =	vperm.xlane v3, v2;
	v4 =	vadd.s32 v1, v4;
	_ =	sdelay $0x1  }
0x57: {  	v3 =	vadd.s32 v1, v3;
	_ =	sdelay $0x2  }
0x58: {  	[tilespmem:s24], [sflag:$0x1] =	stream.indirect_vreg.gather [hbm4b:s3+s2], $0x80, v4, vm0, $0xb8;
	[tilespmem:$0x12180] =	vst v63  }
0x59: {  	_ = 	snop  }
0x5a: {  	[tilespmem:s25], [sflag:$0x1] =	stream.indirect_vreg.gather [hbm4b:s3+s2], $0x80, v3, vm0, $0xb8;
	[tilespmem:$0x12180] =	vst v63  }
0x5b: {  	v3 =	vld [tilespmem:$0x90];
	_ =	sdelay $0x4  }
0x5c: {  	v4 =	vshll.u32 v3, $0x1  }
0x5d: {  	v3 =	vand.u32 $0x7, v3;
	v4 =	vand.u32 $0xFFFFFFF0, v4  }
0x5e: {  	v3 =	vor.u32 v3, v4  }
0x5f: {  	v4 =	vperm.xlane v3, v0;
	_ =	sdelay $0x1  }
0x60: {  	v3 =	vperm.xlane v3, v2;
	v4 =	vadd.s32 v1, v4;
	_ =	sdelay $0x1  }
0x61: {  	v3 =	vadd.s32 v1, v3;
	_ =	sdelay $0x2  }
0x62: {  	[tilespmem:s26], [sflag:$0x1] =	stream.indirect_vreg.gather [hbm4b:s3+s2], $0x80, v4, vm0, $0xb8;
	[tilespmem:$0x12180] =	vst v63  }
0x63: {  	_ = 	snop  }
0x64: {  	[tilespmem:s28], [sflag:$0x1] =	stream.indirect_vreg.gather [hbm4b:s3+s2], $0x80, v3, vm0, $0xb8;
	[tilespmem:$0x12180] =	vst v63  }
0x65: {  	v3 =	vld [tilespmem:$0xA0];
	_ =	sdelay $0x4  }
0x66: {  	v4 =	vshll.u32 v3, $0x1  }
0x67: {  	v3 =	vand.u32 $0x7, v3;
	v4 =	vand.u32 $0xFFFFFFF0, v4  }
0x68: {  	v3 =	vor.u32 v3, v4  }
0x69: {  	v4 =	vperm.xlane v3, v0;
	_ =	sdelay $0x1  }
0x6a: {  	v3 =	vperm.xlane v3, v2;
	v4 =	vadd.s32 v1, v4;
	_ =	sdelay $0x1  }
0x6b: {  	v3 =	vadd.s32 v1, v3;
	_ =	sdelay $0x2  }
0x6c: {  	[tilespmem:s29], [sflag:$0x1] =	stream.indirect_vreg.gather [hbm4b:s3+s2], $0x80, v4, vm0, $0xb8;
	[tilespmem:$0x12180] =	vst v63  }
0x6d: {  	_ = 	snop  }
0x6e: {  	[tilespmem:s30], [sflag:$0x1] =	stream.indirect_vreg.gather [hbm4b:s3+s2], $0x80, v3, vm0, $0xb8;
	[tilespmem:$0x12180] =	vst v63  }
0x6f: {  	v3 =	vld [tilespmem:$0xB0];
	_ =	sdelay $0x4  }
0x70: {  	v4 =	vshll.u32 v3, $0x1  }
0x71: {  	v3 =	vand.u32 $0x7, v3;
	v4 =	vand.u32 $0xFFFFFFF0, v4  }
0x72: {  	v3 =	vor.u32 v3, v4  }
0x73: {  	v4 =	vperm.xlane v3, v0;
	_ =	sdelay $0x1  }
0x74: {  	v3 =	vperm.xlane v3, v2;
	v4 =	vadd.s32 v1, v4;
	_ =	sdelay $0x1  }
0x75: {  	v3 =	vadd.s32 v1, v3;
	_ =	sdelay $0x2  }
0x76: {  	[tilespmem:s31], [sflag:$0x1] =	stream.indirect_vreg.gather [hbm4b:s3+s2], $0x80, v4, vm0, $0xb8;
	[tilespmem:$0x12180] =	vst v63  }
0x77: {  	_ = 	snop  }
0x78: {  	[tilespmem:s0], [sflag:$0x1] =	stream.indirect_vreg.gather [hbm4b:s3+s2], $0x80, v3, vm0, $0xb8;
	[tilespmem:$0x12180] =	vst v63  }
0x79: {  	v3 =	vld.msk [tilespmem:$0xC0], $0xff;
	_ =	sdelay $0x4  }
0x7a: {  	v4 =	vshll.u32 v3, $0x1  }
0x7b: {  	v3 =	vand.u32 $0x7, v3;
	v4 =	vand.u32 $0xFFFFFFF0, v4  }
0x7c: {  	v3 =	vor.u32 v3, v4  }
0x7d: {  	v3 =	vperm.xlane v3, v0;
	_ =	sdelay $0x1  }
0x7e: {  	v3 =	vadd.s32 v1, v3;
	_ =	sdelay $0x4  }
0x7f: {  	[tilespmem:s1], [sflag:$0x1] =	stream.indirect_vreg.gather [hbm4b:s3+s2], $0x80, v3, vm0, $0xb8;
	[tilespmem:$0x12180] =	vst v63  }
0x80: {  	_ = 	snop  }
0x81: {  	[tilespmem:s14], [sflag:$0x2] =	stream.linear.gather [hbm4b:s7+s2], $0x4800, $0x38;
	[tilespmem:$0x12180] =	vst v63  }
0x82: {  	_ =	swait.ge [sflag:s15], $0x4800  }
0x83: {  	[sflag:s15] =	ssyncset.done $0x0  }
0x84: {  	[sflag:s15] =	ssyncadd.s32 $0xFFFFB800  }
0x85: {  	_ =	swait.ge [sflag:s16], $0x4800  }
0x86: {  	s22 =	sand.u32 $0x7800, s2;
	s20 =	sand.u32 $0x380, s2;
	[sflag:s16] =	ssyncset.done $0x0  }
0x87: {  	s21 =	sor.u32 s20, s22;
	[sflag:s16] =	ssyncadd.s32 $0xFFFFB800  }
0x88: {  	v3 =	vld [tilespmem:s21+$0x9100]  }
0x89: {  	v4 =	vld [tilespmem:s21+$0x100]  }
0x8a: {  	v5 =	vld [tilespmem:s21+$0x9110]  }
0x8b: {  	v6 =	vld [tilespmem:s21+$0x110]  }
0x8c: {  	v7 =	vld [tilespmem:s21+$0x9120]  }
0x8d: {  	v8 =	vld [tilespmem:s21+$0x120]  }
0x8e: {  	v9 =	vld [tilespmem:s21+$0x9130];
	v3 =	vsub.f32 v3, v4  }
0x8f: {  	v4 =	vld [tilespmem:s21+$0x130]  }
0x90: {  	v10 =	vld [tilespmem:s21+$0x9140];
	v5 =	vsub.f32 v5, v6;
	v3 =	vmul.f32 v3, v3  }
0x91: {  	v11 =	vimm.f32 $0.0e+00;
	v6 =	vld [tilespmem:s21+$0x140]  }
0x92: {  	v12 =	vld [tilespmem:s21+$0x9150];
	v7 =	vsub.f32 v7, v8;
	v5 =	vmul.f32 v5, v5;
	v3 =	vadd.f32 v3, v11  }
0x93: {  	v8 =	vld [tilespmem:s21+$0x150]  }
0x94: {  	v11 =	vld [tilespmem:s21+$0x9160];
	v4 =	vsub.f32 v9, v4;
	v3 =	vadd.f32 v5, v3;
	v5 =	vmul.f32 v7, v7  }
0x95: {  	v7 =	vld [tilespmem:s21+$0x160]  }
0x96: {  	v9 =	vld [tilespmem:s21+$0x9170];
	v4 =	vmul.f32 v4, v4;
	v3 =	vadd.f32 v5, v3;
	v5 =	vsub.f32 v10, v6  }
0x97: {  	v6 =	vld [tilespmem:s21+$0x170]  }
0x98: {  	v10 =	vld [tilespmem:s21+$0x9500];
	v3 =	vadd.f32 v4, v3;
	v4 =	vmul.f32 v5, v5;
	v5 =	vsub.f32 v12, v8  }
0x99: {  	v8 =	vld [tilespmem:s21+$0x500]  }
0x9a: {  	v62 =	vld [tilespmem:s21+$0x9510];
	v3 =	vadd.f32 v4, v3;
	v4 =	vmul.f32 v5, v5;
	v5 =	vsub.f32 v11, v7  }
0x9b: {  	v7 =	vld [tilespmem:s21+$0x510]  }
0x9c: {  	v11 =	vld [tilespmem:s21+$0x9520];
	v3 =	vadd.f32 v4, v3;
	v4 =	vmul.f32 v5, v5;
	v5 =	vsub.f32 v9, v6  }
0x9d: {  	v6 =	vld [tilespmem:s21+$0x520]  }
0x9e: {  	v9 =	vld [tilespmem:s21+$0x9530];
	v3 =	vadd.f32 v4, v3;
	v4 =	vmul.f32 v5, v5;
	v5 =	vsub.f32 v10, v8  }
0x9f: {  	v8 =	vld [tilespmem:s21+$0x530]  }
0xa0: {  	v13 =	vld [tilespmem:s21+$0x9540];
	v7 =	vsub.f32 v62, v7;
	v4 =	vadd.f32 v4, v3;
	v5 =	vmul.f32 v5, v5  }
0xa1: {  	v63 =	vld [tilespmem:s21+$0x540]  }
0xa2: {  	v3 =	vld [tilespmem:s21+$0x9550];
	v7 =	vmul.f32 v7, v7;
	v6 =	vsub.f32 v11, v6;
	v10 =	vadd.f32 v5, v4  }
0xa3: {  	v5 =	vld [tilespmem:s21+$0x550]  }
0xa4: {  	v4 =	vld [tilespmem:s21+$0x9560];
	v11 =	vmul.f32 v6, v6;
	v8 =	vsub.f32 v9, v8;
	v10 =	vadd.f32 v7, v10  }
0xa5: {  	s23 =	simm.s32 $0x100;
	s20 =	simm.s32 $0x80;
	v6 =	vld [tilespmem:s21+$0x560]  }
0xa6: {  	s19 =	sand.u32 $0x7800, s23;
	s22 =	sand.u32 $0x380, s20;
	v7 =	vld [tilespmem:s21+$0x9570];
	v9 =	vadd.f32 v11, v10;
	v10 =	vmul.f32 v8, v8;
	v11 =	vsub.f32 v13, v63  }
0xa7: {  	s19 =	sor.u32 s22, s19;
	v8 =	vld [tilespmem:s21+$0x570];
	s21 =	simm.s32 $0x200  }
.LBB2_2:
0xa8: {  	p0 =	sne.s32 s21, $0x4700;
	v12 =	vld [tilespmem:s19+$0x9100];
	v9 =	vadd.f32 v10, v9;
	v10 =	vmul.f32 v11, v11;
	v3 =	vsub.f32 v3, v5  }
0xa9: {  	v5 =	vld [tilespmem:s19+$0x100]  }
0xaa: {  	v11 =	vld [tilespmem:s19+$0x9110];
	v9 =	vadd.f32 v10, v9;
	v3 =	vmul.f32 v3, v3;
	v4 =	vsub.f32 v4, v6  }
0xab: {  	v6 =	vld [tilespmem:s19+$0x110]  }
0xac: {  	v10 =	vld [tilespmem:s19+$0x9120];
	v3 =	vadd.f32 v3, v9;
	v4 =	vmul.f32 v4, v4;
	v7 =	vsub.f32 v7, v8  }
0xad: {  	v8 =	vld [tilespmem:s19+$0x120]  }
0xae: {  	v5 =	vsub.f32 v12, v5;
	v9 =	vld [tilespmem:s19+$0x9130];
	v3 =	vadd.f32 v4, v3;
	v4 =	vmul.f32 v7, v7  }
0xaf: {  	v7 =	vld [tilespmem:s19+$0x130]  }
0xb0: {  	v5 =	vmul.f32 v5, v5;
	v6 =	vsub.f32 v11, v6;
	v11 =	vld [tilespmem:s19+$0x9140];
	v3 =	vadd.f32 v4, v3  }
0xb1: {  	v4 =	vld [tilespmem:s19+$0x140]  }
0xb2: {  	v3 =	vadd.f32 v5, v3;
	v5 =	vmul.f32 v6, v6;
	v6 =	vsub.f32 v10, v8;
	v8 =	vld [tilespmem:s19+$0x9150]  }
0xb3: {  	v10 =	vld [tilespmem:s19+$0x150]  }
0xb4: {  	v3 =	vadd.f32 v5, v3;
	v5 =	vmul.f32 v6, v6;
	v6 =	vsub.f32 v9, v7;
	v7 =	vld [tilespmem:s19+$0x9160]  }
0xb5: {  	v9 =	vld [tilespmem:s19+$0x160]  }
0xb6: {  	v3 =	vadd.f32 v5, v3;
	v5 =	vmul.f32 v6, v6;
	v4 =	vsub.f32 v11, v4;
	v6 =	vld [tilespmem:s19+$0x9170]  }
0xb7: {  	v11 =	vld [tilespmem:s19+$0x170]  }
0xb8: {  	v3 =	vadd.f32 v5, v3;
	v4 =	vmul.f32 v4, v4;
	v5 =	vsub.f32 v8, v10;
	v8 =	vld [tilespmem:s19+$0x9500]  }
0xb9: {  	v10 =	vld [tilespmem:s19+$0x500]  }
0xba: {  	v3 =	vadd.f32 v4, v3;
	v4 =	vmul.f32 v5, v5;
	v5 =	vsub.f32 v7, v9;
	v7 =	vld [tilespmem:s19+$0x9510]  }
0xbb: {  	v9 =	vld [tilespmem:s19+$0x510]  }
0xbc: {  	v3 =	vadd.f32 v4, v3;
	v4 =	vmul.f32 v5, v5;
	v5 =	vsub.f32 v6, v11;
	v6 =	vld [tilespmem:s19+$0x9520]  }
0xbd: {  	v11 =	vld [tilespmem:s19+$0x520]  }
0xbe: {  	v3 =	vadd.f32 v4, v3;
	v4 =	vmul.f32 v5, v5;
	v5 =	vsub.f32 v8, v10;
	v8 =	vld [tilespmem:s19+$0x9530]  }
0xbf: {  	v10 =	vld [tilespmem:s19+$0x530]  }
0xc0: {  	v3 =	vadd.f32 v4, v3;
	v4 =	vmul.f32 v5, v5;
	v5 =	vsub.f32 v7, v9;
	v7 =	vld [tilespmem:s19+$0x9540]  }
0xc1: {  	v12 =	vld [tilespmem:s19+$0x540]  }
0xc2: {  	v4 =	vadd.f32 v4, v3;
	v9 =	vmul.f32 v5, v5;
	v6 =	vsub.f32 v6, v11;
	v3 =	vld [tilespmem:s19+$0x9550]  }
.Ltmp0:
0xc3: {  	v5 =	vld [tilespmem:s19+$0x550];
	(pc) =	sbr.rel @p0 .LBB2_2-.Ltmp0, $4  }
0xc4: {  	v9 =	vadd.f32 v9, v4;
	v11 =	vmul.f32 v6, v6;
	v8 =	vsub.f32 v8, v10;
	v4 =	vld [tilespmem:s19+$0x9560]  }
0xc5: {  	s20 =	sadd.s32 $0x80, s20;
	v6 =	vld [tilespmem:s19+$0x560]  }
0xc6: {  	s22 =	sand.u32 $0x7800, s21;
	s23 =	sand.u32 $0x380, s20;
	v9 =	vadd.f32 v11, v9;
	v10 =	vmul.f32 v8, v8;
	v11 =	vsub.f32 v7, v12;
	v7 =	vld [tilespmem:s19+$0x9570]  }
0xc7: {  	s21 =	sadd.s32 $0x100, s21;
	v8 =	vld [tilespmem:s19+$0x570];
	s19 =	sor.u32 s23, s22  }
0xc8: {  	v12 =	vld [tilespmem:s19+$0x9100]  }
0xc9: {  	v13 =	vld [tilespmem:s19+$0x100]  }
0xca: {  	v14 =	vld [tilespmem:s19+$0x9110]  }
0xcb: {  	v15 =	vld [tilespmem:s19+$0x110]  }
0xcc: {  	v16 =	vld [tilespmem:s19+$0x9120]  }
0xcd: {  	v17 =	vld [tilespmem:s19+$0x120]  }
0xce: {  	v18 =	vld [tilespmem:s19+$0x9130]  }
0xcf: {  	v19 =	vld [tilespmem:s19+$0x130]  }
0xd0: {  	v20 =	vld [tilespmem:s19+$0x9140]  }
0xd1: {  	v21 =	vld [tilespmem:s19+$0x140];
	v9 =	vadd.f32 v10, v9;
	v10 =	vmul.f32 v11, v11;
	v3 =	vsub.f32 v3, v5  }
0xd2: {  	v22 =	vld [tilespmem:s19+$0x9150]  }
0xd3: {  	v5 =	vld [tilespmem:s19+$0x150];
	v9 =	vadd.f32 v10, v9;
	v3 =	vmul.f32 v3, v3;
	v4 =	vsub.f32 v4, v6  }
0xd4: {  	v11 =	vld [tilespmem:s19+$0x9160]  }
0xd5: {  	v41 =	vld [tilespmem:s19+$0x9510];
	v3 =	vadd.f32 v3, v9;
	v4 =	vmul.f32 v4, v4;
	v7 =	vsub.f32 v7, v8  }
0xd6: {  	v42 =	vld [tilespmem:s19+$0x9520]  }
0xd7: {  	v45 =	vld [tilespmem:s19+$0x520];
	v12 =	vsub.f32 v12, v13;
	v3 =	vadd.f32 v4, v3;
	v4 =	vmul.f32 v7, v7  }
0xd8: {  	v46 =	vld [tilespmem:s19+$0x9530]  }
0xd9: {  	v49 =	vld [tilespmem:s19+$0x530];
	v14 =	vsub.f32 v14, v15;
	v12 =	vmul.f32 v12, v12;
	v3 =	vadd.f32 v4, v3  }
0xda: {  	v50 =	vld [tilespmem:s19+$0x9540]  }
0xdb: {  	v53 =	vld [tilespmem:s19+$0x540];
	v44 =	vsub.f32 v16, v17;
	v43 =	vmul.f32 v14, v14;
	v3 =	vadd.f32 v12, v3  }
0xdc: {  	v54 =	vld [tilespmem:s19+$0x9550]  }
0xdd: {  	v56 =	vld [tilespmem:s19+$0x550];
	v48 =	vsub.f32 v18, v19;
	v47 =	vmul.f32 v44, v44;
	v3 =	vadd.f32 v43, v3  }
0xde: {  	v6 =	vld [tilespmem:s19+$0x160]  }
0xdf: {  	v10 =	vld [tilespmem:s19+$0x9170];
	v52 =	vsub.f32 v20, v21;
	v51 =	vmul.f32 v48, v48;
	v3 =	vadd.f32 v47, v3  }
0xe0: {  	v8 =	vld [tilespmem:s19+$0x170]  }
0xe1: {  	v9 =	vld [tilespmem:s19+$0x9500];
	v5 =	vsub.f32 v22, v5;
	v55 =	vmul.f32 v52, v52;
	v3 =	vadd.f32 v51, v3  }
0xe2: {  	v7 =	vld [tilespmem:s19+$0x500]  }
0xe3: {  	v57 =	vld [tilespmem:s19+$0x9560];
	v5 =	vmul.f32 v5, v5;
	v6 =	vsub.f32 v11, v6;
	v3 =	vadd.f32 v55, v3  }
0xe4: {  	v4 =	vld [tilespmem:s19+$0x510]  }
0xe5: {  	v58 =	vld [tilespmem:s19+$0x9570];
	v3 =	vadd.f32 v5, v3;
	v5 =	vmul.f32 v6, v6;
	v6 =	vsub.f32 v10, v8  }
0xe6: {  	s22 =	simm.s32 $0x0;
	v11 =	vld [tilespmem:s19+$0x560]  }
0xe7: {  	v8 =	vld [tilespmem:s19+$0x570];
	[hbm4b:s8+s22] =	stream.linear.scatter [tilespmem:s13], [sflag:$0x3], $0x4800, $0x38;
	v3 =	vadd.f32 v5, v3;
	v5 =	vsub.f32 v9, v7;
	v6 =	vmul.f32 v6, v6  }
0xe8: {  	_ =	swait.ge [sflag:s12], $0x4800  }
0xe9: {  	v4 =	vsub.f32 v41, v4;
	[sflag:s12] =	ssyncset.done $0x0;
	v3 =	vadd.f32 v6, v3;
	v5 =	vmul.f32 v5, v5  }
0xea: {  	[sflag:s12] =	ssyncadd.s32 $0xFFFFB800  }
0xeb: {  	v4 =	vmul.f32 v4, v4;
	_ =	swait.ge [sflag:s15], $0x4800;
	v3 =	vadd.f32 v5, v3;
	v5 =	vsub.f32 v42, v45  }
0xec: {  	[sflag:s15] =	ssyncset.done $0x0  }
0xed: {  	[sflag:s15] =	ssyncadd.s32 $0xFFFFB800;
	v3 =	vadd.f32 v4, v3;
	v4 =	vsub.f32 v46, v49;
	v5 =	vmul.f32 v5, v5  }
0xee: {  	_ =	swait.ge [sflag:s16], $0x4800  }
0xef: {  	s20 =	sand.u32 $0x7800, s22;
	s19 =	sand.u32 $0x380, s22;
	[sflag:s16] =	ssyncset.done $0x0;
	v3 =	vadd.f32 v5, v3;
	v4 =	vmul.f32 v4, v4;
	v5 =	vsub.f32 v50, v53  }
0xf0: {  	s22 =	sor.u32 s19, s20;
	[sflag:s16] =	ssyncadd.s32 $0xFFFFB800  }
0xf1: {  	v6 =	vld [tilespmem:s22+$0xD900];
	v3 =	vadd.f32 v4, v3;
	v4 =	vmul.f32 v5, v5;
	v5 =	vsub.f32 v54, v56  }
0xf2: {  	v7 =	vld [tilespmem:s22+$0x4900]  }
0xf3: {  	v9 =	vld [tilespmem:s22+$0xD910];
	v3 =	vadd.f32 v4, v3;
	v4 =	vmul.f32 v5, v5;
	v5 =	vsub.f32 v57, v11  }
0xf4: {  	v10 =	vld [tilespmem:s22+$0x4910]  }
0xf5: {  	v11 =	vld [tilespmem:s22+$0xD920];
	v3 =	vadd.f32 v4, v3;
	v4 =	vmul.f32 v5, v5;
	v5 =	vsub.f32 v58, v8  }
0xf6: {  	v8 =	vld [tilespmem:s22+$0x4920]  }
0xf7: {  	v59 =	vld [tilespmem:s22+$0xD930];
	v3 =	vadd.f32 v4, v3;
	v4 =	vmul.f32 v5, v5;
	v5 =	vsub.f32 v6, v7  }
0xf8: {  	v6 =	vld [tilespmem:s22+$0x4930]  }
0xf9: {  	v7 =	vld [tilespmem:s22+$0xD940];
	v3 =	vadd.f32 v4, v3;
	v4 =	vmul.f32 v5, v5;
	v5 =	vsub.f32 v9, v10  }
0xfa: {  	v9 =	vld [tilespmem:s22+$0x4940]  }
0xfb: {  	v10 =	vld [tilespmem:s22+$0xD950];
	v3 =	vadd.f32 v4, v3;
	v4 =	vmul.f32 v5, v5;
	v5 =	vsub.f32 v11, v8  }
0xfc: {  	v8 =	vld [tilespmem:s22+$0x4950]  }
0xfd: {  	v11 =	vld [tilespmem:s22+$0xD960];
	v3 =	vadd.f32 v4, v3;
	v4 =	vmul.f32 v5, v5;
	v5 =	vsub.f32 v59, v6  }
0xfe: {  	v6 =	vld [tilespmem:s22+$0x4960]  }
0xff: {  	v60 =	vld [tilespmem:s22+$0xD970];
	v3 =	vadd.f32 v4, v3;
	v4 =	vmul.f32 v5, v5;
	v5 =	vsub.f32 v7, v9  }
0x100: {  	v7 =	vld [tilespmem:s22+$0x4970]  }
0x101: {  	v9 =	vld [tilespmem:s22+$0xDD00];
	v3 =	vadd.f32 v4, v3;
	v4 =	vmul.f32 v5, v5;
	v5 =	vsub.f32 v10, v8  }
0x102: {  	v8 =	vld [tilespmem:s22+$0x4D00]  }
0x103: {  	v10 =	vld [tilespmem:s22+$0xDD10];
	v3 =	vadd.f32 v4, v3;
	v4 =	vmul.f32 v5, v5;
	v5 =	vsub.f32 v11, v6  }
0x104: {  	v6 =	vld [tilespmem:s22+$0x4D10]  }
0x105: {  	v11 =	vld [tilespmem:s22+$0xDD20];
	v3 =	vadd.f32 v4, v3;
	v4 =	vmul.f32 v5, v5;
	v5 =	vsub.f32 v60, v7  }
0x106: {  	v7 =	vld [tilespmem:s22+$0x4D20]  }
0x107: {  	v61 =	vld [tilespmem:s22+$0xDD30];
	v3 =	vadd.f32 v4, v3;
	v4 =	vmul.f32 v5, v5;
	v5 =	vsub.f32 v9, v8  }
0x108: {  	v8 =	vld [tilespmem:s22+$0x4D30]  }
0x109: {  	v62 =	vld [tilespmem:s22+$0xDD40];
	v6 =	vsub.f32 v10, v6;
	v4 =	vadd.f32 v4, v3;
	v5 =	vmul.f32 v5, v5  }
0x10a: {  	v63 =	vld [tilespmem:s22+$0x4D40]  }
0x10b: {  	v3 =	vld [tilespmem:s22+$0xDD50];
	v6 =	vmul.f32 v6, v6;
	v7 =	vsub.f32 v11, v7;
	v9 =	vadd.f32 v5, v4  }
0x10c: {  	v5 =	vld [tilespmem:s22+$0x4D50]  }
0x10d: {  	v4 =	vld [tilespmem:s22+$0xDD60];
	v10 =	vmul.f32 v7, v7;
	v8 =	vsub.f32 v61, v8;
	v9 =	vadd.f32 v6, v9  }
0x10e: {  	s23 =	simm.s32 $0x100;
	s20 =	simm.s32 $0x80;
	v6 =	vld [tilespmem:s22+$0x4D60]  }
0x10f: {  	s19 =	sand.u32 $0x7800, s23;
	s21 =	sand.u32 $0x380, s20;
	v11 =	vsub.f32 v62, v63;
	v7 =	vld [tilespmem:s22+$0xDD70];
	v9 =	vadd.f32 v10, v9;
	v10 =	vmul.f32 v8, v8  }
0x110: {  	s19 =	sor.u32 s21, s19;
	s21 =	simm.s32 $0x200;
	v8 =	vld [tilespmem:s22+$0x4D70]  }
.LBB2_4:
0x111: {  	p0 =	sne.s32 s21, $0x4700;
	v12 =	vld [tilespmem:s19+$0xD900];
	v9 =	vadd.f32 v10, v9;
	v10 =	vmul.f32 v11, v11;
	v3 =	vsub.f32 v3, v5  }
0x112: {  	v5 =	vld [tilespmem:s19+$0x4900]  }
0x113: {  	v11 =	vld [tilespmem:s19+$0xD910];
	v9 =	vadd.f32 v10, v9;
	v3 =	vmul.f32 v3, v3;
	v4 =	vsub.f32 v4, v6  }
0x114: {  	v6 =	vld [tilespmem:s19+$0x4910]  }
0x115: {  	v10 =	vld [tilespmem:s19+$0xD920];
	v3 =	vadd.f32 v3, v9;
	v4 =	vmul.f32 v4, v4;
	v7 =	vsub.f32 v7, v8  }
0x116: {  	v8 =	vld [tilespmem:s19+$0x4920]  }
0x117: {  	v5 =	vsub.f32 v12, v5;
	v9 =	vld [tilespmem:s19+$0xD930];
	v3 =	vadd.f32 v4, v3;
	v4 =	vmul.f32 v7, v7  }
0x118: {  	v7 =	vld [tilespmem:s19+$0x4930]  }
0x119: {  	v5 =	vmul.f32 v5, v5;
	v6 =	vsub.f32 v11, v6;
	v11 =	vld [tilespmem:s19+$0xD940];
	v3 =	vadd.f32 v4, v3  }
0x11a: {  	v4 =	vld [tilespmem:s19+$0x4940]  }
0x11b: {  	v3 =	vadd.f32 v5, v3;
	v5 =	vmul.f32 v6, v6;
	v6 =	vsub.f32 v10, v8;
	v8 =	vld [tilespmem:s19+$0xD950]  }
0x11c: {  	v10 =	vld [tilespmem:s19+$0x4950]  }
0x11d: {  	v3 =	vadd.f32 v5, v3;
	v5 =	vmul.f32 v6, v6;
	v6 =	vsub.f32 v9, v7;
	v7 =	vld [tilespmem:s19+$0xD960]  }
0x11e: {  	v9 =	vld [tilespmem:s19+$0x4960]  }
0x11f: {  	v3 =	vadd.f32 v5, v3;
	v5 =	vmul.f32 v6, v6;
	v4 =	vsub.f32 v11, v4;
	v6 =	vld [tilespmem:s19+$0xD970]  }
0x120: {  	v11 =	vld [tilespmem:s19+$0x4970]  }
0x121: {  	v3 =	vadd.f32 v5, v3;
	v4 =	vmul.f32 v4, v4;
	v5 =	vsub.f32 v8, v10;
	v8 =	vld [tilespmem:s19+$0xDD00]  }
0x122: {  	v10 =	vld [tilespmem:s19+$0x4D00]  }
0x123: {  	v3 =	vadd.f32 v4, v3;
	v4 =	vmul.f32 v5, v5;
	v5 =	vsub.f32 v7, v9;
	v7 =	vld [tilespmem:s19+$0xDD10]  }
0x124: {  	v9 =	vld [tilespmem:s19+$0x4D10]  }
0x125: {  	v3 =	vadd.f32 v4, v3;
	v4 =	vmul.f32 v5, v5;
	v5 =	vsub.f32 v6, v11;
	v6 =	vld [tilespmem:s19+$0xDD20]  }
0x126: {  	v11 =	vld [tilespmem:s19+$0x4D20]  }
0x127: {  	v3 =	vadd.f32 v4, v3;
	v4 =	vmul.f32 v5, v5;
	v5 =	vsub.f32 v8, v10;
	v8 =	vld [tilespmem:s19+$0xDD30]  }
0x128: {  	v10 =	vld [tilespmem:s19+$0x4D30]  }
0x129: {  	v3 =	vadd.f32 v4, v3;
	v4 =	vmul.f32 v5, v5;
	v5 =	vsub.f32 v7, v9;
	v7 =	vld [tilespmem:s19+$0xDD40]  }
0x12a: {  	v12 =	vld [tilespmem:s19+$0x4D40]  }
0x12b: {  	v4 =	vadd.f32 v4, v3;
	v9 =	vmul.f32 v5, v5;
	v6 =	vsub.f32 v6, v11;
	v3 =	vld [tilespmem:s19+$0xDD50]  }
.Ltmp1:
0x12c: {  	v5 =	vld [tilespmem:s19+$0x4D50];
	(pc) =	sbr.rel @p0 .LBB2_4-.Ltmp1, $4  }
0x12d: {  	v9 =	vadd.f32 v9, v4;
	v11 =	vmul.f32 v6, v6;
	v8 =	vsub.f32 v8, v10;
	v4 =	vld [tilespmem:s19+$0xDD60]  }
0x12e: {  	s20 =	sadd.s32 $0x80, s20;
	v6 =	vld [tilespmem:s19+$0x4D60]  }
0x12f: {  	s22 =	sand.u32 $0x7800, s21;
	s23 =	sand.u32 $0x380, s20;
	v9 =	vadd.f32 v11, v9;
	v10 =	vmul.f32 v8, v8;
	v11 =	vsub.f32 v7, v12;
	v7 =	vld [tilespmem:s19+$0xDD70]  }
0x130: {  	s21 =	sadd.s32 $0x100, s21;
	v8 =	vld [tilespmem:s19+$0x4D70];
	s19 =	sor.u32 s23, s22  }
0x131: {  	v12 =	vld [tilespmem:s19+$0xD900];
	v9 =	vadd.f32 v10, v9;
	v56 =	vmul.f32 v11, v11;
	v3 =	vsub.f32 v3, v5  }
0x132: {  	v57 =	vld [tilespmem:s19+$0x4900]  }
0x133: {  	v58 =	vld [tilespmem:s19+$0xD910];
	v9 =	vadd.f32 v56, v9;
	v3 =	vmul.f32 v3, v3;
	v4 =	vsub.f32 v4, v6  }
0x134: {  	v59 =	vld [tilespmem:s19+$0x4910]  }
0x135: {  	v60 =	vld [tilespmem:s19+$0xD920];
	v3 =	vadd.f32 v3, v9;
	v4 =	vmul.f32 v4, v4;
	v7 =	vsub.f32 v7, v8  }
0x136: {  	v61 =	vld [tilespmem:s19+$0x4920]  }
0x137: {  	v62 =	vld [tilespmem:s19+$0xD930];
	v5 =	vsub.f32 v12, v57;
	v3 =	vadd.f32 v4, v3;
	v63 =	vmul.f32 v7, v7  }
0x138: {  	v12 =	vld [tilespmem:s19+$0x4930]  }
0x139: {  	v13 =	vld [tilespmem:s19+$0xD940];
	v6 =	vsub.f32 v58, v59;
	v5 =	vmul.f32 v5, v5;
	v3 =	vadd.f32 v63, v3  }
0x13a: {  	v14 =	vld [tilespmem:s19+$0x4940]  }
0x13b: {  	v17 =	vld [tilespmem:s19+$0xD950];
	v16 =	vsub.f32 v60, v61;
	v15 =	vmul.f32 v6, v6;
	v3 =	vadd.f32 v5, v3  }
0x13c: {  	v18 =	vld [tilespmem:s19+$0x4950]  }
0x13d: {  	v21 =	vld [tilespmem:s19+$0xD960];
	v19 =	vmul.f32 v16, v16;
	v20 =	vsub.f32 v62, v12;
	v3 =	vadd.f32 v15, v3  }
0x13e: {  	v22 =	vld [tilespmem:s19+$0x4960]  }
0x13f: {  	v24 =	vld [tilespmem:s19+$0xD970];
	v4 =	vsub.f32 v13, v14;
	v23 =	vmul.f32 v20, v20;
	v3 =	vadd.f32 v19, v3  }
0x140: {  	v25 =	vld [tilespmem:s19+$0x4970]  }
0x141: {  	v27 =	vld [tilespmem:s19+$0xDD00];
	v26 =	vsub.f32 v17, v18;
	v4 =	vmul.f32 v4, v4;
	v3 =	vadd.f32 v23, v3  }
0x142: {  	v28 =	vld [tilespmem:s19+$0x4D00]  }
0x143: {  	v31 =	vld [tilespmem:s19+$0xDD10];
	v30 =	vsub.f32 v21, v22;
	v29 =	vmul.f32 v26, v26;
	v3 =	vadd.f32 v4, v3  }
0x144: {  	v32 =	vld [tilespmem:s19+$0x4D10]  }
0x145: {  	v35 =	vld [tilespmem:s19+$0xDD20];
	v34 =	vsub.f32 v24, v25;
	v33 =	vmul.f32 v30, v30;
	v3 =	vadd.f32 v29, v3  }
0x146: {  	v36 =	vld [tilespmem:s19+$0x4D20]  }
0x147: {  	v39 =	vld [tilespmem:s19+$0xDD30];
	v38 =	vsub.f32 v27, v28;
	v37 =	vmul.f32 v34, v34;
	v3 =	vadd.f32 v33, v3  }
0x148: {  	v40 =	vld [tilespmem:s19+$0x4D30]  }
0x149: {  	v43 =	vld [tilespmem:s19+$0xDD40];
	v42 =	vsub.f32 v31, v32;
	v41 =	vmul.f32 v38, v38;
	v3 =	vadd.f32 v37, v3  }
0x14a: {  	v44 =	vld [tilespmem:s19+$0x4D40]  }
0x14b: {  	v47 =	vld [tilespmem:s19+$0xDD50];
	v46 =	vsub.f32 v35, v36;
	v45 =	vmul.f32 v42, v42;
	v3 =	vadd.f32 v41, v3  }
0x14c: {  	v48 =	vld [tilespmem:s19+$0x4D50]  }
0x14d: {  	v51 =	vld [tilespmem:s19+$0xDD60];
	v50 =	vsub.f32 v39, v40;
	v49 =	vmul.f32 v46, v46;
	v3 =	vadd.f32 v45, v3  }
0x14e: {  	v52 =	vld [tilespmem:s19+$0x4D60]  }
0x14f: {  	v55 =	vld [tilespmem:s19+$0xDD70];
	v54 =	vsub.f32 v43, v44;
	v53 =	vmul.f32 v50, v50;
	v3 =	vadd.f32 v49, v3  }
0x150: {  	v56 =	vld [tilespmem:s19+$0x4D70]  }
0x151: {  	v58 =	vsub.f32 v47, v48;
	v57 =	vmul.f32 v54, v54;
	v3 =	vadd.f32 v53, v3;
	_ =	sdelay $0x1  }
0x152: {  	v60 =	vsub.f32 v51, v52;
	v59 =	vmul.f32 v58, v58;
	v3 =	vadd.f32 v57, v3;
	_ =	sdelay $0x1  }
0x153: {  	v61 =	vmul.f32 v60, v60;
	v62 =	vsub.f32 v55, v56;
	v3 =	vadd.f32 v59, v3;
	_ =	sdelay $0x1  }
0x154: {  	[hbm4b:s9+s2] =	stream.linear.scatter [tilespmem:s24], [sflag:$0x3], $0x4800, $0x38;
	v63 =	vmul.f32 v62, v62;
	v3 =	vadd.f32 v61, v3;
	[tilespmem:$0x12180] =	vst v63  }
0x155: {  	_ =	swait.ge [sflag:s12], $0x4800  }
0x156: {  	s18 =	sadd.s32 $0x1, s18;
	[sflag:s12] =	ssyncset.done $0x0;
	v3 =	vadd.f32 v63, v3  }
0x157: {  	p0 =	sne.s32 s18, s11;
	[sflag:s12] =	ssyncadd.s32 $0xFFFFB800  }
.Ltmp2:
0x158: {  	[tilespmem:$0x12100] =	vst v3;
	(pc) =	sbr.rel @p0 .LBB2_1-.Ltmp2, $4  }
0x159: {  	[hbm4b:s10+s2] =	stream.linear.scatter [tilespmem:s17], [sflag:$0x3], $0x10, $0x38;
	[tilespmem:$0x12180] =	vst v63  }
0x15a: {  	_ =	swait.ge [sflag:s12], $0x10  }
0x15b: {  	[sflag:s12] =	ssyncset.done $0x0  }
0x15c: {  	[sflag:s12] =	ssyncadd.s32 $0xFFFFFFF0  }
0x15d: {  	_ =	sfence.sel $0x180000  }
0x15e: {  	[bflag:$0x0] =	sbarrier.arrive $0xFFFF  }
0x15f: {  	_ =	strace $0x90000047  }
0x160: {  	s0 =	stileid.u32;
	[bflag:$0x2] =	sbarrier.arrive $0xFFFF  }
0x161: {  	p0 =	sne.s32 s0, $0x0;
	s0 =	rddreg [dreg:$0x3]  }
0x162: {  	s0 =	sadd.s32 @!p0 $0x100000, s0  }
0x163: {  	[sflag:s0] =	ssyncadd.tile.s32 @!p0 $0x1;
	_ =	shalt  }
.Lfunc_end2:
_tile_overlayer_lowered:
.L_overlay_start_2:
0x164: {  	(tag) =	ssettag $0x2  }
0x165: {  	s0 =	rddreg [dreg:$0x0];
	s2 =	stileid.u32  }
0x166: {  	s1 =	rddreg [dreg:$0x1];
	p0 =	sne.s32 s2, $0x0  }
0x167: {  	s3 =	rddreg [dreg:$0x2];
	[bflag:$0x3] =	sbarrier.arrive $0xFFFF;
	s2 =	simm.s32 @!p0 $0x1C03  }
0x168: {  	[timem:s3], [sflag:s2] =	dma.local @!p0 [hbm:s0], s1  }
0x169: {  	s0 =	simm.s32 @!p0 $0x3  }
0x16a: {  	_ =	swait.ge @!p0 [sflag:s0], s1  }
0x16b: {  	s1 =	ssub.s32 @!p0 $0x0, s1;
	[sflag:s0] =	ssyncset.done @!p0 $0x0  }
0x16c: {  	[sflag:s0] =	ssyncadd.s32 @!p0 s1  }
0x16d: {  	[bflag:$0x3] =	sbarrier.arrive $0xFFFF  }
0x16e: {  	_ =	shalt  }

</sc_bundles>
